<compile_context>
chip_gen: v7x
topology: tpu7x:2x2x1
jax: 0.10.2.dev20260603
libtpu: 0.0.44.dev20260713+nightly
codegen_flags: <defaults>
</compile_context>

<pallas_src>
import functools

import jax
import jax.numpy as jnp
from jax import lax
from jax.experimental import pallas as pl
from jax.experimental.pallas import tpu as pltpu
from jax.experimental.pallas import tpu_sc as plsc

N = 10000
NPAD = 10240
D = 128
E = 320000
NC = 2
NS = 16
NW = NC * NS
EPW = E // NW
KB = 125
NBLK = EPW // KB
NSLOT = 2
RPT = NPAD // NS
XR0 = (NS - 1) * (NPAD // NS)
CHUNK = 128
NCHUNK = RPT // CHUNK
LANES = 16
RB = 1000
GRID = N // RB


def _post_body(p_ref, degp_ref, x_ref, w1_ref, w2_ref, b_ref, o_ref):
    s = p_ref[0].astype(jnp.float32) + p_ref[1].astype(jnp.float32)
    d = degp_ref[0] + degp_ref[1]
    dcol = d[:, 0:1]
    xb = x_ref[...]
    dn = (((1,), (1,)), ((), ()))
    msg1 = lax.dot_general(s, w1_ref[...], dn,
                           preferred_element_type=jnp.float32)
    bp = (
        lax.dot_general(xb, w2_ref[...], dn,
                        preferred_element_type=jnp.float32)
        + b_ref[...]
    )
    o_ref[...] = msg1 + xb + dcol * bp


_post_call = pl.pallas_call(
    _post_body,
    grid=(GRID,),
    in_specs=[
        pl.BlockSpec((NC, RB, D), lambda i: (0, i, 0)),
        pl.BlockSpec((NC, RB, LANES), lambda i: (0, i, 0)),
        pl.BlockSpec((RB, D), lambda i: (i, 0)),
        pl.BlockSpec((D, D), lambda i: (0, 0)),
        pl.BlockSpec((D, D), lambda i: (0, 1)),
        pl.BlockSpec((1, D), lambda i: (0, 0)),
    ],
    out_specs=pl.BlockSpec((RB, D), lambda i: (i, 0)),
    out_shape=jax.ShapeDtypeStruct((N, D), jnp.float32),
)


_MESH = plsc.VectorSubcoreMesh(
    core_axis_name="c", subcore_axis_name="s", num_cores=NC, num_subcores=NS
)


def _fill_rows(ref, nrows, ncols, val, dtype):
    lanes = 32 if dtype == jnp.bfloat16 else LANES
    vec = jnp.full((lanes,), val, dtype)

    def body(i, carry):
        for j in range(ncols // lanes):
            ref[i, pl.ds(j * lanes, lanes)] = vec
        return carry

    lax.fori_loop(0, nrows, body, 0)


@functools.partial(
    pl.kernel,
    out_type=[
        jax.ShapeDtypeStruct((NC, NPAD, D), jnp.bfloat16),
        jax.ShapeDtypeStruct((NC, NPAD, LANES), jnp.float32),
    ],
    mesh=_MESH,
    compiler_params=pltpu.CompilerParams(use_tc_tiling_on_sc=False),
    scratch_types=[
        pltpu.VMEM((NBLK, KB), jnp.int32),
        pltpu.VMEM((NBLK, KB), jnp.int32),
        [pltpu.VMEM((KB, D), jnp.bfloat16)] * NSLOT,
        pltpu.VMEM((KB, LANES), jnp.float32),
        pltpu.VMEM_SHARED((NPAD, D), jnp.bfloat16),
        pltpu.VMEM_SHARED((NPAD, D), jnp.bfloat16),
        pltpu.VMEM_SHARED((NPAD, LANES), jnp.float32),
        [pltpu.SemaphoreType.DMA] * NSLOT,
        [pltpu.SemaphoreType.DMA] * NSLOT,
        [pltpu.SemaphoreType.DMA] * NSLOT,
    ],
)
def _sc_scatter(x_hbm, row_hbm, col_hbm, out_hbm, deg_hbm,
                row_v, col_v, gs, ones_v, xtab, acc, dacc,
                gsems, ssems, osems):
    cid = lax.axis_index("c")
    sid = lax.axis_index("s")
    wid = sid * NC + cid
    base = sid * RPT

    pltpu.sync_copy(row_hbm.at[wid], row_v)
    pltpu.sync_copy(col_hbm.at[wid], col_v)

    @pl.when(sid < NS - 1)
    def _():
        pltpu.sync_copy(x_hbm.at[pl.ds(base, RPT)], xtab.at[pl.ds(base, RPT)])

    @pl.when(sid == NS - 1)
    def _():
        pltpu.sync_copy(x_hbm.at[pl.ds(XR0, N - XR0)],
                        xtab.at[pl.ds(XR0, N - XR0)])

    _fill_rows(gs[0], KB, D, 0.0, jnp.bfloat16)
    _fill_rows(ones_v, KB, LANES, 0.0, jnp.float32)
    for ch in range(RPT // 80):
        cb = base + ch * 80
        pltpu.sync_copy(gs[0].at[pl.ds(0, 80)], acc.at[pl.ds(cb, 80)])
        pltpu.sync_copy(ones_v.at[pl.ds(0, 80)], dacc.at[pl.ds(cb, 80), :])
    _fill_rows(ones_v, KB, LANES, 1.0, jnp.float32)
    plsc.subcore_barrier()

    def wait_gather(b):
        pltpu.make_async_copy(x_hbm.at[pl.ds(0, KB)], gs[b], gsems[b]).wait()

    def wait_scatter(b):
        pltpu.make_async_copy(x_hbm.at[pl.ds(0, KB)], gs[b], ssems[b]).wait()

    def wait_ones(b):
        pltpu.make_async_copy(
            deg_hbm.at[cid, pl.ds(0, KB)], ones_v, osems[b]
        ).wait()

    def start_gather(b, j):
        pltpu.async_copy(xtab.at[row_v.at[j]], gs[b], gsems[b])

    def visit(b, j):
        wait_gather(b)

        @pl.when(j >= NSLOT)
        def _():
            wait_ones(b)

        pltpu.async_copy(gs[b], acc.at[col_v.at[j]], ssems[b], add=True)
        pltpu.async_copy(ones_v, dacc.at[col_v.at[j]], osems[b], add=True)

    for b in range(NSLOT):
        start_gather(b, b)

    def body(i, carry):
        for b in range(NSLOT):
            j = NSLOT * i + b
            visit(b, j)
            wait_scatter(b)

            @pl.when(j + NSLOT < NBLK)
            def _():
                start_gather(b, j + NSLOT)
        return carry

    lax.fori_loop(0, NBLK // NSLOT, body, 0)
    for t in range(NBLK - (NBLK // NSLOT) * NSLOT):
        visit(t, (NBLK // NSLOT) * NSLOT + t)
        wait_scatter(t)

    for b in range(NSLOT):
        wait_ones(b)
    plsc.subcore_barrier()

    pltpu.sync_copy(acc.at[pl.ds(base, RPT)], out_hbm.at[cid, pl.ds(base, RPT)])
    pltpu.sync_copy(dacc.at[pl.ds(base, RPT)], deg_hbm.at[cid, pl.ds(base, RPT)])


def kernel(x, edge_index, W_msg, b_msg):
    xb = x.astype(jnp.bfloat16)
    row3 = edge_index[0].reshape(NW, NBLK, KB)
    col3 = edge_index[1].reshape(NW, NBLK, KB)
    partials, degp = _sc_scatter(xb, row3, col3)
    return _post_call(partials, degp, x, W_msg, W_msg, b_msg.reshape(1, D))

# --- scband reference (transcript-rebuilt; emitter-appended) ---
"""Pipeline reference for scband-general-conv-936302871059 (READ-ONLY COPY).

The authoritative reference and input builder live on the scoring server;
editing this copy changes nothing except your own understanding.
"""

import jax, jax.numpy as jnp
import numpy as np

N_NODES = 10000
N_EDGES = 320000
D = 128

def setup_inputs(seed: int = 0) -> dict:
    key = jax.random.key(seed)
    k1, k2, k3, k4 = jax.random.split(key, 4)
    x = jax.random.normal(k1, (N_NODES, D), dtype=jnp.float32)
    edge_index = jax.random.randint(k2, (2, N_EDGES), 0, N_NODES, dtype=jnp.int32)
    # message_linear: Linear(2*D -> D)
    W_msg = jax.random.normal(k3, (D, 2 * D), dtype=jnp.float32) * (1.0 / np.sqrt(2 * D))
    b_msg = jax.random.normal(k4, (D,), dtype=jnp.float32) * 0.01
    return {"x": x, "edge_index": edge_index, "W_msg": W_msg, "b_msg": b_msg}

def reference(x, edge_index, W_msg, b_msg):
    # GeneralConv forward: directed_msg=True, aggr='add', heads=1,
    # attention=False, l2_normalize=False, root_linear=Identity (in==out, no skip_linear)
    row = edge_index[0]
    col = edge_index[1]
    src = jnp.take(x, row, axis=0)
    dst = jnp.take(x, col, axis=0)
    message_inputs = jnp.concatenate([src, dst], axis=-1)  # [E, 2D]
    messages = message_inputs @ W_msg.T + b_msg            # [E, D] (heads=1)
    out = jnp.zeros((x.shape[0], messages.shape[-1]), dtype=x.dtype).at[col].add(messages)
    out = out + x  # root_linear is Identity
    return out

if __name__ == "__main__":
    import jax
    _d = setup_inputs()
    print(jax.jit(kernel)(*tuple(_d.values())))

</pallas_src>

<mosaic_0001>
#map = affine_map<(d0, d1) -> (0, 0)>
#map1 = affine_map<(d0, d1) -> (0, 0, 0)>
module attributes {stable_mosaic.version = 14 : i64} {
  func.func @_sc_scatter(%arg0: i32, %arg1: i32, %arg2: memref<10000x128xbf16, #tpu.memory_space<hbm>>, %arg3: memref<32x80x125xi32, #tpu.memory_space<hbm>>, %arg4: memref<32x80x125xi32, #tpu.memory_space<hbm>>, %arg5: memref<2x10240x128xbf16, #tpu.memory_space<hbm>>, %arg6: memref<2x10240x16xf32, #tpu.memory_space<hbm>>, %arg7: memref<80x125xi32, #tpu.memory_space<vmem>>, %arg8: memref<80x125xi32, #tpu.memory_space<vmem>>, %arg9: memref<125x128xbf16, #tpu.memory_space<vmem>>, %arg10: memref<125x128xbf16, #tpu.memory_space<vmem>>, %arg11: memref<125x16xf32, #tpu.memory_space<vmem>>, %arg12: memref<10240x128xbf16, #tpu.memory_space<vmem_shared>>, %arg13: memref<10240x128xbf16, #tpu.memory_space<vmem_shared>>, %arg14: memref<10240x16xf32, #tpu.memory_space<vmem_shared>>, %arg15: memref<!tpu.dma_semaphore, #tpu.memory_space<semaphore_mem>>, %arg16: memref<!tpu.dma_semaphore, #tpu.memory_space<semaphore_mem>>, %arg17: memref<!tpu.dma_semaphore, #tpu.memory_space<semaphore_mem>>, %arg18: memref<!tpu.dma_semaphore, #tpu.memory_space<semaphore_mem>>, %arg19: memref<!tpu.dma_semaphore, #tpu.memory_space<semaphore_mem>>, %arg20: memref<!tpu.dma_semaphore, #tpu.memory_space<semaphore_mem>>) attributes {dimension_semantics = [#tpu.dimension_semantics<core_parallel>, #tpu.dimension_semantics<subcore_parallel>], iteration_bounds = array<i64: 2, 16>, scalar_prefetch = 0 : i64, scratch_operands = 14 : i64, tpu.core_type = #tpu.core_type<sc_vector_subcore>, window_params = [{transform_indices = #map}, {transform_indices = #map1}, {transform_indices = #map1}, {transform_indices = #map1}, {transform_indices = #map1}]} {
    %mul3A = arith.constant 2 : i32
    %mul3A_0 = arith.muli %arg1, %mul3A : i32
    %add3A = arith.addi %mul3A_0, %arg0 : i32
    %mul3A_1 = arith.constant 640 : i32
    %mul3A_2 = arith.muli %arg1, %mul3A_1 : i32
    "tpu.region"() ({
      %run_scoped3A = tpu.sem_alloc : memref<!tpu.dma_semaphore, #tpu.memory_space<semaphore_mem>>
      %dma_start3A_82 = arith.constant 0 : i32
      %dma_start3A_83 = arith.constant 0 : i32
      %dma_start3A_84 = tpu.memref_slice %arg3[%add3A, %dma_start3A_82, %dma_start3A_83] : memref<32x80x125xi32, #tpu.memory_space<hbm>> -> memref<1x80x125xi32, #tpu.memory_space<hbm>>
      %dma_start3A_85 = tpu.memref_squeeze %dma_start3A_84 : memref<1x80x125xi32, #tpu.memory_space<hbm>> -> memref<80x125xi32, #tpu.memory_space<hbm>>
      %dma_start3A_86 = arith.constant 0 : i32
      %dma_start3A_87 = arith.constant 0 : i32
      %dma_start3A_88 = tpu.memref_slice %arg3[%add3A, %dma_start3A_86, %dma_start3A_87] : memref<32x80x125xi32, #tpu.memory_space<hbm>> -> memref<1x80x125xi32, #tpu.memory_space<hbm>>
      %dma_start3A_89 = tpu.memref_squeeze %dma_start3A_88 : memref<1x80x125xi32, #tpu.memory_space<hbm>> -> memref<80x125xi32, #tpu.memory_space<hbm>>
      tpu.enqueue_dma source(%dma_start3A_89 : memref<80x125xi32, #tpu.memory_space<hbm>>) target(%arg7 : memref<80x125xi32, #tpu.memory_space<vmem>>) target_semaphore(%run_scoped3A : memref<!tpu.dma_semaphore, #tpu.memory_space<semaphore_mem>>)
      %dma_wait3A_90 = arith.constant 0 : i32
      %dma_wait3A_91 = arith.constant 0 : i32
      %dma_wait3A_92 = tpu.memref_slice %arg3[%add3A, %dma_wait3A_90, %dma_wait3A_91] : memref<32x80x125xi32, #tpu.memory_space<hbm>> -> memref<1x80x125xi32, #tpu.memory_space<hbm>>
      %dma_wait3A_93 = tpu.memref_squeeze %dma_wait3A_92 : memref<1x80x125xi32, #tpu.memory_space<hbm>> -> memref<80x125xi32, #tpu.memory_space<hbm>>
      %dma_wait3A_94 = arith.constant 0 : i32
      %dma_wait3A_95 = arith.constant 0 : i32
      %dma_wait3A_96 = tpu.memref_slice %arg3[%add3A, %dma_wait3A_94, %dma_wait3A_95] : memref<32x80x125xi32, #tpu.memory_space<hbm>> -> memref<1x80x125xi32, #tpu.memory_space<hbm>>
      %dma_wait3A_97 = tpu.memref_squeeze %dma_wait3A_96 : memref<1x80x125xi32, #tpu.memory_space<hbm>> -> memref<80x125xi32, #tpu.memory_space<hbm>>
      tpu.wait_dma2 semaphore(%run_scoped3A : memref<!tpu.dma_semaphore, #tpu.memory_space<semaphore_mem>>) src(%dma_wait3A_97 : memref<80x125xi32, #tpu.memory_space<hbm>>) dst(%arg7 : memref<80x125xi32, #tpu.memory_space<vmem>>)
      tpu.yield
    }) : () -> ()
    "tpu.region"() ({
      %run_scoped3A = tpu.sem_alloc : memref<!tpu.dma_semaphore, #tpu.memory_space<semaphore_mem>>
      %dma_start3A_82 = arith.constant 0 : i32
      %dma_start3A_83 = arith.constant 0 : i32
      %dma_start3A_84 = tpu.memref_slice %arg4[%add3A, %dma_start3A_82, %dma_start3A_83] : memref<32x80x125xi32, #tpu.memory_space<hbm>> -> memref<1x80x125xi32, #tpu.memory_space<hbm>>
      %dma_start3A_85 = tpu.memref_squeeze %dma_start3A_84 : memref<1x80x125xi32, #tpu.memory_space<hbm>> -> memref<80x125xi32, #tpu.memory_space<hbm>>
      %dma_start3A_86 = arith.constant 0 : i32
      %dma_start3A_87 = arith.constant 0 : i32
      %dma_start3A_88 = tpu.memref_slice %arg4[%add3A, %dma_start3A_86, %dma_start3A_87] : memref<32x80x125xi32, #tpu.memory_space<hbm>> -> memref<1x80x125xi32, #tpu.memory_space<hbm>>
      %dma_start3A_89 = tpu.memref_squeeze %dma_start3A_88 : memref<1x80x125xi32, #tpu.memory_space<hbm>> -> memref<80x125xi32, #tpu.memory_space<hbm>>
      tpu.enqueue_dma source(%dma_start3A_89 : memref<80x125xi32, #tpu.memory_space<hbm>>) target(%arg8 : memref<80x125xi32, #tpu.memory_space<vmem>>) target_semaphore(%run_scoped3A : memref<!tpu.dma_semaphore, #tpu.memory_space<semaphore_mem>>)
      %dma_wait3A_90 = arith.constant 0 : i32
      %dma_wait3A_91 = arith.constant 0 : i32
      %dma_wait3A_92 = tpu.memref_slice %arg4[%add3A, %dma_wait3A_90, %dma_wait3A_91] : memref<32x80x125xi32, #tpu.memory_space<hbm>> -> memref<1x80x125xi32, #tpu.memory_space<hbm>>
      %dma_wait3A_93 = tpu.memref_squeeze %dma_wait3A_92 : memref<1x80x125xi32, #tpu.memory_space<hbm>> -> memref<80x125xi32, #tpu.memory_space<hbm>>
      %dma_wait3A_94 = arith.constant 0 : i32
      %dma_wait3A_95 = arith.constant 0 : i32
      %dma_wait3A_96 = tpu.memref_slice %arg4[%add3A, %dma_wait3A_94, %dma_wait3A_95] : memref<32x80x125xi32, #tpu.memory_space<hbm>> -> memref<1x80x125xi32, #tpu.memory_space<hbm>>
      %dma_wait3A_97 = tpu.memref_squeeze %dma_wait3A_96 : memref<1x80x125xi32, #tpu.memory_space<hbm>> -> memref<80x125xi32, #tpu.memory_space<hbm>>
      tpu.wait_dma2 semaphore(%run_scoped3A : memref<!tpu.dma_semaphore, #tpu.memory_space<semaphore_mem>>) src(%dma_wait3A_97 : memref<80x125xi32, #tpu.memory_space<hbm>>) dst(%arg8 : memref<80x125xi32, #tpu.memory_space<vmem>>)
      tpu.yield
    }) : () -> ()
    %lt3A = arith.constant 15 : i32
    %lt3A_3 = arith.cmpi slt, %arg1, %lt3A : i32
    %convert_element_type3A = arith.extui %lt3A_3 : i1 to i32
    %cond3A = arith.constant 0 : i32
    %cond3A_4 = arith.cmpi ne, %convert_element_type3A, %cond3A : i32
    scf.if %cond3A_4 {
      "tpu.region"() ({
        %run_scoped3A = tpu.sem_alloc : memref<!tpu.dma_semaphore, #tpu.memory_space<semaphore_mem>>
        %dma_start3A_82 = arith.constant 0 : i32
        %dma_start3A_83 = tpu.memref_slice %arg12[%mul3A_2, %dma_start3A_82] : memref<10240x128xbf16, #tpu.memory_space<vmem_shared>> -> memref<640x128xbf16, #tpu.memory_space<vmem_shared>>
        %dma_start3A_84 = arith.constant 0 : i32
        %dma_start3A_85 = tpu.memref_slice %arg2[%mul3A_2, %dma_start3A_84] : memref<10000x128xbf16, #tpu.memory_space<hbm>> -> memref<640x128xbf16, #tpu.memory_space<hbm>>
        tpu.enqueue_dma source(%dma_start3A_85 : memref<640x128xbf16, #tpu.memory_space<hbm>>) target(%dma_start3A_83 : memref<640x128xbf16, #tpu.memory_space<vmem_shared>>) target_semaphore(%run_scoped3A : memref<!tpu.dma_semaphore, #tpu.memory_space<semaphore_mem>>)
        %dma_wait3A_86 = arith.constant 0 : i32
        %dma_wait3A_87 = tpu.memref_slice %arg12[%mul3A_2, %dma_wait3A_86] : memref<10240x128xbf16, #tpu.memory_space<vmem_shared>> -> memref<640x128xbf16, #tpu.memory_space<vmem_shared>>
        %dma_wait3A_88 = arith.constant 0 : i32
        %dma_wait3A_89 = tpu.memref_slice %arg2[%mul3A_2, %dma_wait3A_88] : memref<10000x128xbf16, #tpu.memory_space<hbm>> -> memref<640x128xbf16, #tpu.memory_space<hbm>>
        tpu.wait_dma2 semaphore(%run_scoped3A : memref<!tpu.dma_semaphore, #tpu.memory_space<semaphore_mem>>) src(%dma_wait3A_89 : memref<640x128xbf16, #tpu.memory_space<hbm>>) dst(%dma_wait3A_87 : memref<640x128xbf16, #tpu.memory_space<vmem_shared>>)
        tpu.yield
      }) : () -> ()
    } else {
    }
    %eq3A = arith.constant 15 : i32
    %eq3A_5 = arith.cmpi eq, %arg1, %eq3A : i32
    %convert_element_type3A_6 = arith.extui %eq3A_5 : i1 to i32
    %cond3A_7 = arith.constant 0 : i32
    %cond3A_8 = arith.cmpi ne, %convert_element_type3A_6, %cond3A_7 : i32
    scf.if %cond3A_8 {
      "tpu.region"() ({
        %run_scoped3A = tpu.sem_alloc : memref<!tpu.dma_semaphore, #tpu.memory_space<semaphore_mem>>
        %dma_start3A_82 = arith.constant 9600 : i32
        %dma_start3A_83 = arith.constant 0 : i32
        %dma_start3A_84 = tpu.memref_slice %arg12[%dma_start3A_82, %dma_start3A_83] : memref<10240x128xbf16, #tpu.memory_space<vmem_shared>> -> memref<400x128xbf16, #tpu.memory_space<vmem_shared>>
        %dma_start3A_85 = arith.constant 9600 : i32
        %dma_start3A_86 = arith.constant 0 : i32
        %dma_start3A_87 = tpu.memref_slice %arg2[%dma_start3A_85, %dma_start3A_86] : memref<10000x128xbf16, #tpu.memory_space<hbm>> -> memref<400x128xbf16, #tpu.memory_space<hbm>>
        tpu.enqueue_dma source(%dma_start3A_87 : memref<400x128xbf16, #tpu.memory_space<hbm>>) target(%dma_start3A_84 : memref<400x128xbf16, #tpu.memory_space<vmem_shared>>) target_semaphore(%run_scoped3A : memref<!tpu.dma_semaphore, #tpu.memory_space<semaphore_mem>>)
        %dma_wait3A_88 = arith.constant 9600 : i32
        %dma_wait3A_89 = arith.constant 0 : i32
        %dma_wait3A_90 = tpu.memref_slice %arg12[%dma_wait3A_88, %dma_wait3A_89] : memref<10240x128xbf16, #tpu.memory_space<vmem_shared>> -> memref<400x128xbf16, #tpu.memory_space<vmem_shared>>
        %dma_wait3A_91 = arith.constant 9600 : i32
        %dma_wait3A_92 = arith.constant 0 : i32
        %dma_wait3A_93 = tpu.memref_slice %arg2[%dma_wait3A_91, %dma_wait3A_92] : memref<10000x128xbf16, #tpu.memory_space<hbm>> -> memref<400x128xbf16, #tpu.memory_space<hbm>>
        tpu.wait_dma2 semaphore(%run_scoped3A : memref<!tpu.dma_semaphore, #tpu.memory_space<semaphore_mem>>) src(%dma_wait3A_93 : memref<400x128xbf16, #tpu.memory_space<hbm>>) dst(%dma_wait3A_90 : memref<400x128xbf16, #tpu.memory_space<vmem_shared>>)
        tpu.yield
      }) : () -> ()
    } else {
    }
    %broadcast_in_dim3A = arith.constant 0.000000e+00 : bf16
    %broadcast_in_dim3A_9 = vector.broadcast %broadcast_in_dim3A : bf16 to vector<32xbf16>
    %scan3A = arith.constant 0 : i32
    %scan3A_10 = arith.constant 0 : i32
    %scan3A_11 = arith.constant 125 : i32
    %scan3A_12 = arith.addi %scan3A_10, %scan3A_11 : i32
    %scan3A_13 = arith.constant 1 : i32
    scf.for %scan3A_82 = %scan3A_10 to %scan3A_12 step %scan3A_13  : i32 {
      %swap3A = arith.index_cast %scan3A_82 : i32 to index
      %swap3A_83 = arith.constant 0 : index
      %swap3A_84 = tpu.vector_load %arg9[%swap3A, %swap3A_83] {strides = array<i32>} : memref<125x128xbf16, #tpu.memory_space<vmem>>, vector<1x32xbf16>,
      %swap3A_85 = vector.shape_cast %swap3A_84 : vector<1x32xbf16> to vector<32xbf16>
      %swap3A_86 = vector.shape_cast %broadcast_in_dim3A_9 : vector<32xbf16> to vector<1x32xbf16>
      tpu.vector_store %arg9[%swap3A, %swap3A_83], %swap3A_86 {strides = array<i32>} : memref<125x128xbf16, #tpu.memory_space<vmem>>, vector<1x32xbf16>,
      %swap3A_87 = arith.index_cast %scan3A_82 : i32 to index
      %swap3A_88 = arith.constant 32 : index
      %swap3A_89 = tpu.vector_load %arg9[%swap3A_87, %swap3A_88] {strides = array<i32>} : memref<125x128xbf16, #tpu.memory_space<vmem>>, vector<1x32xbf16>,
      %swap3A_90 = vector.shape_cast %swap3A_89 : vector<1x32xbf16> to vector<32xbf16>
      %swap3A_91 = vector.shape_cast %broadcast_in_dim3A_9 : vector<32xbf16> to vector<1x32xbf16>
      tpu.vector_store %arg9[%swap3A_87, %swap3A_88], %swap3A_91 {strides = array<i32>} : memref<125x128xbf16, #tpu.memory_space<vmem>>, vector<1x32xbf16>,
      %swap3A_92 = arith.index_cast %scan3A_82 : i32 to index
      %swap3A_93 = arith.constant 64 : index
      %swap3A_94 = tpu.vector_load %arg9[%swap3A_92, %swap3A_93] {strides = array<i32>} : memref<125x128xbf16, #tpu.memory_space<vmem>>, vector<1x32xbf16>,
      %swap3A_95 = vector.shape_cast %swap3A_94 : vector<1x32xbf16> to vector<32xbf16>
      %swap3A_96 = vector.shape_cast %broadcast_in_dim3A_9 : vector<32xbf16> to vector<1x32xbf16>
      tpu.vector_store %arg9[%swap3A_92, %swap3A_93], %swap3A_96 {strides = array<i32>} : memref<125x128xbf16, #tpu.memory_space<vmem>>, vector<1x32xbf16>,
      %swap3A_97 = arith.index_cast %scan3A_82 : i32 to index
      %swap3A_98 = arith.constant 96 : index
      %swap3A_99 = tpu.vector_load %arg9[%swap3A_97, %swap3A_98] {strides = array<i32>} : memref<125x128xbf16, #tpu.memory_space<vmem>>, vector<1x32xbf16>,
      %swap3A_100 = vector.shape_cast %swap3A_99 : vector<1x32xbf16> to vector<32xbf16>
      %swap3A_101 = vector.shape_cast %broadcast_in_dim3A_9 : vector<32xbf16> to vector<1x32xbf16>
      tpu.vector_store %arg9[%swap3A_97, %swap3A_98], %swap3A_101 {strides = array<i32>} : memref<125x128xbf16, #tpu.memory_space<vmem>>, vector<1x32xbf16>,
    }
    %scan3A_14 = arith.constant 125 : i32
    %broadcast_in_dim3A_15 = arith.constant 0.000000e+00 : f32
    %broadcast_in_dim3A_16 = vector.broadcast %broadcast_in_dim3A_15 : f32 to vector<16xf32>
    %scan3A_17 = arith.constant 0 : i32
    %scan3A_18 = arith.constant 0 : i32
    %scan3A_19 = arith.constant 125 : i32
    %scan3A_20 = arith.addi %scan3A_18, %scan3A_19 : i32
    %scan3A_21 = arith.constant 1 : i32
    scf.for %scan3A_82 = %scan3A_18 to %scan3A_20 step %scan3A_21  : i32 {
      %swap3A = arith.index_cast %scan3A_82 : i32 to index
      %swap3A_83 = arith.constant 0 : index
      %swap3A_84 = tpu.vector_load %arg11[%swap3A, %swap3A_83] {strides = array<i32>} : memref<125x16xf32, #tpu.memory_space<vmem>>, vector<1x16xf32>,
      %swap3A_85 = vector.shape_cast %swap3A_84 : vector<1x16xf32> to vector<16xf32>
      %swap3A_86 = vector.shape_cast %broadcast_in_dim3A_16 : vector<16xf32> to vector<1x16xf32>
      tpu.vector_store %arg11[%swap3A, %swap3A_83], %swap3A_86 {strides = array<i32>} : memref<125x16xf32, #tpu.memory_space<vmem>>, vector<1x16xf32>,
    }
    %scan3A_22 = arith.constant 125 : i32
    %add3A_23 = arith.constant 0 : i32
    %add3A_24 = arith.addi %mul3A_2, %add3A_23 : i32
    "tpu.region"() ({
      %run_scoped3A = tpu.sem_alloc : memref<!tpu.dma_semaphore, #tpu.memory_space<semaphore_mem>>
      %dma_start3A_82 = arith.constant 0 : i32
      %dma_start3A_83 = arith.constant 0 : i32
      %dma_start3A_84 = tpu.memref_slice %arg9[%dma_start3A_82, %dma_start3A_83] : memref<125x128xbf16, #tpu.memory_space<vmem>> -> memref<80x128xbf16, #tpu.memory_space<vmem>>
      %dma_start3A_85 = arith.constant 0 : i32
      %dma_start3A_86 = tpu.memref_slice %arg13[%add3A_24, %dma_start3A_85] : memref<10240x128xbf16, #tpu.memory_space<vmem_shared>> -> memref<80x128xbf16, #tpu.memory_space<vmem_shared>>
      %dma_start3A_87 = arith.constant 0 : i32
      %dma_start3A_88 = tpu.memref_slice %arg13[%add3A_24, %dma_start3A_87] : memref<10240x128xbf16, #tpu.memory_space<vmem_shared>> -> memref<80x128xbf16, #tpu.memory_space<vmem_shared>>
      %dma_start3A_89 = arith.constant 0 : i32
      %dma_start3A_90 = arith.constant 0 : i32
      %dma_start3A_91 = tpu.memref_slice %arg9[%dma_start3A_89, %dma_start3A_90] : memref<125x128xbf16, #tpu.memory_space<vmem>> -> memref<80x128xbf16, #tpu.memory_space<vmem>>
      tpu.enqueue_dma source(%dma_start3A_91 : memref<80x128xbf16, #tpu.memory_space<vmem>>) target(%dma_start3A_88 : memref<80x128xbf16, #tpu.memory_space<vmem_shared>>) target_semaphore(%run_scoped3A : memref<!tpu.dma_semaphore, #tpu.memory_space<semaphore_mem>>)
      %dma_wait3A_92 = arith.constant 0 : i32
      %dma_wait3A_93 = arith.constant 0 : i32
      %dma_wait3A_94 = tpu.memref_slice %arg9[%dma_wait3A_92, %dma_wait3A_93] : memref<125x128xbf16, #tpu.memory_space<vmem>> -> memref<80x128xbf16, #tpu.memory_space<vmem>>
      %dma_wait3A_95 = arith.constant 0 : i32
      %dma_wait3A_96 = tpu.memref_slice %arg13[%add3A_24, %dma_wait3A_95] : memref<10240x128xbf16, #tpu.memory_space<vmem_shared>> -> memref<80x128xbf16, #tpu.memory_space<vmem_shared>>
      %dma_wait3A_97 = arith.constant 0 : i32
      %dma_wait3A_98 = tpu.memref_slice %arg13[%add3A_24, %dma_wait3A_97] : memref<10240x128xbf16, #tpu.memory_space<vmem_shared>> -> memref<80x128xbf16, #tpu.memory_space<vmem_shared>>
      %dma_wait3A_99 = arith.constant 0 : i32
      %dma_wait3A_100 = arith.constant 0 : i32
      %dma_wait3A_101 = tpu.memref_slice %arg9[%dma_wait3A_99, %dma_wait3A_100] : memref<125x128xbf16, #tpu.memory_space<vmem>> -> memref<80x128xbf16, #tpu.memory_space<vmem>>
      tpu.wait_dma2 semaphore(%run_scoped3A : memref<!tpu.dma_semaphore, #tpu.memory_space<semaphore_mem>>) src(%dma_wait3A_101 : memref<80x128xbf16, #tpu.memory_space<vmem>>) dst(%dma_wait3A_98 : memref<80x128xbf16, #tpu.memory_space<vmem_shared>>)
      tpu.yield
    }) : () -> ()
    "tpu.region"() ({
      %run_scoped3A = tpu.sem_alloc : memref<!tpu.dma_semaphore, #tpu.memory_space<semaphore_mem>>
      %dma_start3A_82 = arith.constant 0 : i32
      %dma_start3A_83 = arith.constant 0 : i32
      %dma_start3A_84 = tpu.memref_slice %arg11[%dma_start3A_82, %dma_start3A_83] : memref<125x16xf32, #tpu.memory_space<vmem>> -> memref<80x16xf32, #tpu.memory_space<vmem>>
      %dma_start3A_85 = arith.constant 0 : i32
      %dma_start3A_86 = tpu.memref_slice %arg14[%add3A_24, %dma_start3A_85] : memref<10240x16xf32, #tpu.memory_space<vmem_shared>> -> memref<80x16xf32, #tpu.memory_space<vmem_shared>>
      %dma_start3A_87 = arith.constant 0 : i32
      %dma_start3A_88 = tpu.memref_slice %arg14[%add3A_24, %dma_start3A_87] : memref<10240x16xf32, #tpu.memory_space<vmem_shared>> -> memref<80x16xf32, #tpu.memory_space<vmem_shared>>
      %dma_start3A_89 = arith.constant 0 : i32
      %dma_start3A_90 = arith.constant 0 : i32
      %dma_start3A_91 = tpu.memref_slice %arg11[%dma_start3A_89, %dma_start3A_90] : memref<125x16xf32, #tpu.memory_space<vmem>> -> memref<80x16xf32, #tpu.memory_space<vmem>>
      tpu.enqueue_dma source(%dma_start3A_91 : memref<80x16xf32, #tpu.memory_space<vmem>>) target(%dma_start3A_88 : memref<80x16xf32, #tpu.memory_space<vmem_shared>>) target_semaphore(%run_scoped3A : memref<!tpu.dma_semaphore, #tpu.memory_space<semaphore_mem>>)
      %dma_wait3A_92 = arith.constant 0 : i32
      %dma_wait3A_93 = arith.constant 0 : i32
      %dma_wait3A_94 = tpu.memref_slice %arg11[%dma_wait3A_92, %dma_wait3A_93] : memref<125x16xf32, #tpu.memory_space<vmem>> -> memref<80x16xf32, #tpu.memory_space<vmem>>
      %dma_wait3A_95 = arith.constant 0 : i32
      %dma_wait3A_96 = tpu.memref_slice %arg14[%add3A_24, %dma_wait3A_95] : memref<10240x16xf32, #tpu.memory_space<vmem_shared>> -> memref<80x16xf32, #tpu.memory_space<vmem_shared>>
      %dma_wait3A_97 = arith.constant 0 : i32
      %dma_wait3A_98 = tpu.memref_slice %arg14[%add3A_24, %dma_wait3A_97] : memref<10240x16xf32, #tpu.memory_space<vmem_shared>> -> memref<80x16xf32, #tpu.memory_space<vmem_shared>>
      %dma_wait3A_99 = arith.constant 0 : i32
      %dma_wait3A_100 = arith.constant 0 : i32
      %dma_wait3A_101 = tpu.memref_slice %arg11[%dma_wait3A_99, %dma_wait3A_100] : memref<125x16xf32, #tpu.memory_space<vmem>> -> memref<80x16xf32, #tpu.memory_space<vmem>>
      tpu.wait_dma2 semaphore(%run_scoped3A : memref<!tpu.dma_semaphore, #tpu.memory_space<semaphore_mem>>) src(%dma_wait3A_101 : memref<80x16xf32, #tpu.memory_space<vmem>>) dst(%dma_wait3A_98 : memref<80x16xf32, #tpu.memory_space<vmem_shared>>)
      tpu.yield
    }) : () -> ()
    %add3A_25 = arith.constant 80 : i32
    %add3A_26 = arith.addi %mul3A_2, %add3A_25 : i32
    "tpu.region"() ({
      %run_scoped3A = tpu.sem_alloc : memref<!tpu.dma_semaphore, #tpu.memory_space<semaphore_mem>>
      %dma_start3A_82 = arith.constant 0 : i32
      %dma_start3A_83 = arith.constant 0 : i32
      %dma_start3A_84 = tpu.memref_slice %arg9[%dma_start3A_82, %dma_start3A_83] : memref<125x128xbf16, #tpu.memory_space<vmem>> -> memref<80x128xbf16, #tpu.memory_space<vmem>>
      %dma_start3A_85 = arith.constant 0 : i32
      %dma_start3A_86 = tpu.memref_slice %arg13[%add3A_26, %dma_start3A_85] : memref<10240x128xbf16, #tpu.memory_space<vmem_shared>> -> memref<80x128xbf16, #tpu.memory_space<vmem_shared>>
      %dma_start3A_87 = arith.constant 0 : i32
      %dma_start3A_88 = tpu.memref_slice %arg13[%add3A_26, %dma_start3A_87] : memref<10240x128xbf16, #tpu.memory_space<vmem_shared>> -> memref<80x128xbf16, #tpu.memory_space<vmem_shared>>
      %dma_start3A_89 = arith.constant 0 : i32
      %dma_start3A_90 = arith.constant 0 : i32
      %dma_start3A_91 = tpu.memref_slice %arg9[%dma_start3A_89, %dma_start3A_90] : memref<125x128xbf16, #tpu.memory_space<vmem>> -> memref<80x128xbf16, #tpu.memory_space<vmem>>
      tpu.enqueue_dma source(%dma_start3A_91 : memref<80x128xbf16, #tpu.memory_space<vmem>>) target(%dma_start3A_88 : memref<80x128xbf16, #tpu.memory_space<vmem_shared>>) target_semaphore(%run_scoped3A : memref<!tpu.dma_semaphore, #tpu.memory_space<semaphore_mem>>)
      %dma_wait3A_92 = arith.constant 0 : i32
      %dma_wait3A_93 = arith.constant 0 : i32
      %dma_wait3A_94 = tpu.memref_slice %arg9[%dma_wait3A_92, %dma_wait3A_93] : memref<125x128xbf16, #tpu.memory_space<vmem>> -> memref<80x128xbf16, #tpu.memory_space<vmem>>
      %dma_wait3A_95 = arith.constant 0 : i32
      %dma_wait3A_96 = tpu.memref_slice %arg13[%add3A_26, %dma_wait3A_95] : memref<10240x128xbf16, #tpu.memory_space<vmem_shared>> -> memref<80x128xbf16, #tpu.memory_space<vmem_shared>>
      %dma_wait3A_97 = arith.constant 0 : i32
      %dma_wait3A_98 = tpu.memref_slice %arg13[%add3A_26, %dma_wait3A_97] : memref<10240x128xbf16, #tpu.memory_space<vmem_shared>> -> memref<80x128xbf16, #tpu.memory_space<vmem_shared>>
      %dma_wait3A_99 = arith.constant 0 : i32
      %dma_wait3A_100 = arith.constant 0 : i32
      %dma_wait3A_101 = tpu.memref_slice %arg9[%dma_wait3A_99, %dma_wait3A_100] : memref<125x128xbf16, #tpu.memory_space<vmem>> -> memref<80x128xbf16, #tpu.memory_space<vmem>>
      tpu.wait_dma2 semaphore(%run_scoped3A : memref<!tpu.dma_semaphore, #tpu.memory_space<semaphore_mem>>) src(%dma_wait3A_101 : memref<80x128xbf16, #tpu.memory_space<vmem>>) dst(%dma_wait3A_98 : memref<80x128xbf16, #tpu.memory_space<vmem_shared>>)
      tpu.yield
    }) : () -> ()
    "tpu.region"() ({
      %run_scoped3A = tpu.sem_alloc : memref<!tpu.dma_semaphore, #tpu.memory_space<semaphore_mem>>
      %dma_start3A_82 = arith.constant 0 : i32
      %dma_start3A_83 = arith.constant 0 : i32
      %dma_start3A_84 = tpu.memref_slice %arg11[%dma_start3A_82, %dma_start3A_83] : memref<125x16xf32, #tpu.memory_space<vmem>> -> memref<80x16xf32, #tpu.memory_space<vmem>>
      %dma_start3A_85 = arith.constant 0 : i32
      %dma_start3A_86 = tpu.memref_slice %arg14[%add3A_26, %dma_start3A_85] : memref<10240x16xf32, #tpu.memory_space<vmem_shared>> -> memref<80x16xf32, #tpu.memory_space<vmem_shared>>
      %dma_start3A_87 = arith.constant 0 : i32
      %dma_start3A_88 = tpu.memref_slice %arg14[%add3A_26, %dma_start3A_87] : memref<10240x16xf32, #tpu.memory_space<vmem_shared>> -> memref<80x16xf32, #tpu.memory_space<vmem_shared>>
      %dma_start3A_89 = arith.constant 0 : i32
      %dma_start3A_90 = arith.constant 0 : i32
      %dma_start3A_91 = tpu.memref_slice %arg11[%dma_start3A_89, %dma_start3A_90] : memref<125x16xf32, #tpu.memory_space<vmem>> -> memref<80x16xf32, #tpu.memory_space<vmem>>
      tpu.enqueue_dma source(%dma_start3A_91 : memref<80x16xf32, #tpu.memory_space<vmem>>) target(%dma_start3A_88 : memref<80x16xf32, #tpu.memory_space<vmem_shared>>) target_semaphore(%run_scoped3A : memref<!tpu.dma_semaphore, #tpu.memory_space<semaphore_mem>>)
      %dma_wait3A_92 = arith.constant 0 : i32
      %dma_wait3A_93 = arith.constant 0 : i32
      %dma_wait3A_94 = tpu.memref_slice %arg11[%dma_wait3A_92, %dma_wait3A_93] : memref<125x16xf32, #tpu.memory_space<vmem>> -> memref<80x16xf32, #tpu.memory_space<vmem>>
      %dma_wait3A_95 = arith.constant 0 : i32
      %dma_wait3A_96 = tpu.memref_slice %arg14[%add3A_26, %dma_wait3A_95] : memref<10240x16xf32, #tpu.memory_space<vmem_shared>> -> memref<80x16xf32, #tpu.memory_space<vmem_shared>>
      %dma_wait3A_97 = arith.constant 0 : i32
      %dma_wait3A_98 = tpu.memref_slice %arg14[%add3A_26, %dma_wait3A_97] : memref<10240x16xf32, #tpu.memory_space<vmem_shared>> -> memref<80x16xf32, #tpu.memory_space<vmem_shared>>
      %dma_wait3A_99 = arith.constant 0 : i32
      %dma_wait3A_100 = arith.constant 0 : i32
      %dma_wait3A_101 = tpu.memref_slice %arg11[%dma_wait3A_99, %dma_wait3A_100] : memref<125x16xf32, #tpu.memory_space<vmem>> -> memref<80x16xf32, #tpu.memory_space<vmem>>
      tpu.wait_dma2 semaphore(%run_scoped3A : memref<!tpu.dma_semaphore, #tpu.memory_space<semaphore_mem>>) src(%dma_wait3A_101 : memref<80x16xf32, #tpu.memory_space<vmem>>) dst(%dma_wait3A_98 : memref<80x16xf32, #tpu.memory_space<vmem_shared>>)
      tpu.yield
    }) : () -> ()
    %add3A_27 = arith.constant 160 : i32
    %add3A_28 = arith.addi %mul3A_2, %add3A_27 : i32
    "tpu.region"() ({
      %run_scoped3A = tpu.sem_alloc : memref<!tpu.dma_semaphore, #tpu.memory_space<semaphore_mem>>
      %dma_start3A_82 = arith.constant 0 : i32
      %dma_start3A_83 = arith.constant 0 : i32
      %dma_start3A_84 = tpu.memref_slice %arg9[%dma_start3A_82, %dma_start3A_83] : memref<125x128xbf16, #tpu.memory_space<vmem>> -> memref<80x128xbf16, #tpu.memory_space<vmem>>
      %dma_start3A_85 = arith.constant 0 : i32
      %dma_start3A_86 = tpu.memref_slice %arg13[%add3A_28, %dma_start3A_85] : memref<10240x128xbf16, #tpu.memory_space<vmem_shared>> -> memref<80x128xbf16, #tpu.memory_space<vmem_shared>>
      %dma_start3A_87 = arith.constant 0 : i32
      %dma_start3A_88 = tpu.memref_slice %arg13[%add3A_28, %dma_start3A_87] : memref<10240x128xbf16, #tpu.memory_space<vmem_shared>> -> memref<80x128xbf16, #tpu.memory_space<vmem_shared>>
      %dma_start3A_89 = arith.constant 0 : i32
      %dma_start3A_90 = arith.constant 0 : i32
      %dma_start3A_91 = tpu.memref_slice %arg9[%dma_start3A_89, %dma_start3A_90] : memref<125x128xbf16, #tpu.memory_space<vmem>> -> memref<80x128xbf16, #tpu.memory_space<vmem>>
      tpu.enqueue_dma source(%dma_start3A_91 : memref<80x128xbf16, #tpu.memory_space<vmem>>) target(%dma_start3A_88 : memref<80x128xbf16, #tpu.memory_space<vmem_shared>>) target_semaphore(%run_scoped3A : memref<!tpu.dma_semaphore, #tpu.memory_space<semaphore_mem>>)
      %dma_wait3A_92 = arith.constant 0 : i32
      %dma_wait3A_93 = arith.constant 0 : i32
      %dma_wait3A_94 = tpu.memref_slice %arg9[%dma_wait3A_92, %dma_wait3A_93] : memref<125x128xbf16, #tpu.memory_space<vmem>> -> memref<80x128xbf16, #tpu.memory_space<vmem>>
      %dma_wait3A_95 = arith.constant 0 : i32
      %dma_wait3A_96 = tpu.memref_slice %arg13[%add3A_28, %dma_wait3A_95] : memref<10240x128xbf16, #tpu.memory_space<vmem_shared>> -> memref<80x128xbf16, #tpu.memory_space<vmem_shared>>
      %dma_wait3A_97 = arith.constant 0 : i32
      %dma_wait3A_98 = tpu.memref_slice %arg13[%add3A_28, %dma_wait3A_97] : memref<10240x128xbf16, #tpu.memory_space<vmem_shared>> -> memref<80x128xbf16, #tpu.memory_space<vmem_shared>>
      %dma_wait3A_99 = arith.constant 0 : i32
      %dma_wait3A_100 = arith.constant 0 : i32
      %dma_wait3A_101 = tpu.memref_slice %arg9[%dma_wait3A_99, %dma_wait3A_100] : memref<125x128xbf16, #tpu.memory_space<vmem>> -> memref<80x128xbf16, #tpu.memory_space<vmem>>
      tpu.wait_dma2 semaphore(%run_scoped3A : memref<!tpu.dma_semaphore, #tpu.memory_space<semaphore_mem>>) src(%dma_wait3A_101 : memref<80x128xbf16, #tpu.memory_space<vmem>>) dst(%dma_wait3A_98 : memref<80x128xbf16, #tpu.memory_space<vmem_shared>>)
      tpu.yield
    }) : () -> ()
    "tpu.region"() ({
      %run_scoped3A = tpu.sem_alloc : memref<!tpu.dma_semaphore, #tpu.memory_space<semaphore_mem>>
      %dma_start3A_82 = arith.constant 0 : i32
      %dma_start3A_83 = arith.constant 0 : i32
      %dma_start3A_84 = tpu.memref_slice %arg11[%dma_start3A_82, %dma_start3A_83] : memref<125x16xf32, #tpu.memory_space<vmem>> -> memref<80x16xf32, #tpu.memory_space<vmem>>
      %dma_start3A_85 = arith.constant 0 : i32
      %dma_start3A_86 = tpu.memref_slice %arg14[%add3A_28, %dma_start3A_85] : memref<10240x16xf32, #tpu.memory_space<vmem_shared>> -> memref<80x16xf32, #tpu.memory_space<vmem_shared>>
      %dma_start3A_87 = arith.constant 0 : i32
      %dma_start3A_88 = tpu.memref_slice %arg14[%add3A_28, %dma_start3A_87] : memref<10240x16xf32, #tpu.memory_space<vmem_shared>> -> memref<80x16xf32, #tpu.memory_space<vmem_shared>>
      %dma_start3A_89 = arith.constant 0 : i32
      %dma_start3A_90 = arith.constant 0 : i32
      %dma_start3A_91 = tpu.memref_slice %arg11[%dma_start3A_89, %dma_start3A_90] : memref<125x16xf32, #tpu.memory_space<vmem>> -> memref<80x16xf32, #tpu.memory_space<vmem>>
      tpu.enqueue_dma source(%dma_start3A_91 : memref<80x16xf32, #tpu.memory_space<vmem>>) target(%dma_start3A_88 : memref<80x16xf32, #tpu.memory_space<vmem_shared>>) target_semaphore(%run_scoped3A : memref<!tpu.dma_semaphore, #tpu.memory_space<semaphore_mem>>)
      %dma_wait3A_92 = arith.constant 0 : i32
      %dma_wait3A_93 = arith.constant 0 : i32
      %dma_wait3A_94 = tpu.memref_slice %arg11[%dma_wait3A_92, %dma_wait3A_93] : memref<125x16xf32, #tpu.memory_space<vmem>> -> memref<80x16xf32, #tpu.memory_space<vmem>>
      %dma_wait3A_95 = arith.constant 0 : i32
      %dma_wait3A_96 = tpu.memref_slice %arg14[%add3A_28, %dma_wait3A_95] : memref<10240x16xf32, #tpu.memory_space<vmem_shared>> -> memref<80x16xf32, #tpu.memory_space<vmem_shared>>
      %dma_wait3A_97 = arith.constant 0 : i32
      %dma_wait3A_98 = tpu.memref_slice %arg14[%add3A_28, %dma_wait3A_97] : memref<10240x16xf32, #tpu.memory_space<vmem_shared>> -> memref<80x16xf32, #tpu.memory_space<vmem_shared>>
      %dma_wait3A_99 = arith.constant 0 : i32
      %dma_wait3A_100 = arith.constant 0 : i32
      %dma_wait3A_101 = tpu.memref_slice %arg11[%dma_wait3A_99, %dma_wait3A_100] : memref<125x16xf32, #tpu.memory_space<vmem>> -> memref<80x16xf32, #tpu.memory_space<vmem>>
      tpu.wait_dma2 semaphore(%run_scoped3A : memref<!tpu.dma_semaphore, #tpu.memory_space<semaphore_mem>>) src(%dma_wait3A_101 : memref<80x16xf32, #tpu.memory_space<vmem>>) dst(%dma_wait3A_98 : memref<80x16xf32, #tpu.memory_space<vmem_shared>>)
      tpu.yield
    }) : () -> ()
    %add3A_29 = arith.constant 240 : i32
    %add3A_30 = arith.addi %mul3A_2, %add3A_29 : i32
    "tpu.region"() ({
      %run_scoped3A = tpu.sem_alloc : memref<!tpu.dma_semaphore, #tpu.memory_space<semaphore_mem>>
      %dma_start3A_82 = arith.constant 0 : i32
      %dma_start3A_83 = arith.constant 0 : i32
      %dma_start3A_84 = tpu.memref_slice %arg9[%dma_start3A_82, %dma_start3A_83] : memref<125x128xbf16, #tpu.memory_space<vmem>> -> memref<80x128xbf16, #tpu.memory_space<vmem>>
      %dma_start3A_85 = arith.constant 0 : i32
      %dma_start3A_86 = tpu.memref_slice %arg13[%add3A_30, %dma_start3A_85] : memref<10240x128xbf16, #tpu.memory_space<vmem_shared>> -> memref<80x128xbf16, #tpu.memory_space<vmem_shared>>
      %dma_start3A_87 = arith.constant 0 : i32
      %dma_start3A_88 = tpu.memref_slice %arg13[%add3A_30, %dma_start3A_87] : memref<10240x128xbf16, #tpu.memory_space<vmem_shared>> -> memref<80x128xbf16, #tpu.memory_space<vmem_shared>>
      %dma_start3A_89 = arith.constant 0 : i32
      %dma_start3A_90 = arith.constant 0 : i32
      %dma_start3A_91 = tpu.memref_slice %arg9[%dma_start3A_89, %dma_start3A_90] : memref<125x128xbf16, #tpu.memory_space<vmem>> -> memref<80x128xbf16, #tpu.memory_space<vmem>>
      tpu.enqueue_dma source(%dma_start3A_91 : memref<80x128xbf16, #tpu.memory_space<vmem>>) target(%dma_start3A_88 : memref<80x128xbf16, #tpu.memory_space<vmem_shared>>) target_semaphore(%run_scoped3A : memref<!tpu.dma_semaphore, #tpu.memory_space<semaphore_mem>>)
      %dma_wait3A_92 = arith.constant 0 : i32
      %dma_wait3A_93 = arith.constant 0 : i32
      %dma_wait3A_94 = tpu.memref_slice %arg9[%dma_wait3A_92, %dma_wait3A_93] : memref<125x128xbf16, #tpu.memory_space<vmem>> -> memref<80x128xbf16, #tpu.memory_space<vmem>>
      %dma_wait3A_95 = arith.constant 0 : i32
      %dma_wait3A_96 = tpu.memref_slice %arg13[%add3A_30, %dma_wait3A_95] : memref<10240x128xbf16, #tpu.memory_space<vmem_shared>> -> memref<80x128xbf16, #tpu.memory_space<vmem_shared>>
      %dma_wait3A_97 = arith.constant 0 : i32
      %dma_wait3A_98 = tpu.memref_slice %arg13[%add3A_30, %dma_wait3A_97] : memref<10240x128xbf16, #tpu.memory_space<vmem_shared>> -> memref<80x128xbf16, #tpu.memory_space<vmem_shared>>
      %dma_wait3A_99 = arith.constant 0 : i32
      %dma_wait3A_100 = arith.constant 0 : i32
      %dma_wait3A_101 = tpu.memref_slice %arg9[%dma_wait3A_99, %dma_wait3A_100] : memref<125x128xbf16, #tpu.memory_space<vmem>> -> memref<80x128xbf16, #tpu.memory_space<vmem>>
      tpu.wait_dma2 semaphore(%run_scoped3A : memref<!tpu.dma_semaphore, #tpu.memory_space<semaphore_mem>>) src(%dma_wait3A_101 : memref<80x128xbf16, #tpu.memory_space<vmem>>) dst(%dma_wait3A_98 : memref<80x128xbf16, #tpu.memory_space<vmem_shared>>)
      tpu.yield
    }) : () -> ()
    "tpu.region"() ({
      %run_scoped3A = tpu.sem_alloc : memref<!tpu.dma_semaphore, #tpu.memory_space<semaphore_mem>>
      %dma_start3A_82 = arith.constant 0 : i32
      %dma_start3A_83 = arith.constant 0 : i32
      %dma_start3A_84 = tpu.memref_slice %arg11[%dma_start3A_82, %dma_start3A_83] : memref<125x16xf32, #tpu.memory_space<vmem>> -> memref<80x16xf32, #tpu.memory_space<vmem>>
      %dma_start3A_85 = arith.constant 0 : i32
      %dma_start3A_86 = tpu.memref_slice %arg14[%add3A_30, %dma_start3A_85] : memref<10240x16xf32, #tpu.memory_space<vmem_shared>> -> memref<80x16xf32, #tpu.memory_space<vmem_shared>>
      %dma_start3A_87 = arith.constant 0 : i32
      %dma_start3A_88 = tpu.memref_slice %arg14[%add3A_30, %dma_start3A_87] : memref<10240x16xf32, #tpu.memory_space<vmem_shared>> -> memref<80x16xf32, #tpu.memory_space<vmem_shared>>
      %dma_start3A_89 = arith.constant 0 : i32
      %dma_start3A_90 = arith.constant 0 : i32
      %dma_start3A_91 = tpu.memref_slice %arg11[%dma_start3A_89, %dma_start3A_90] : memref<125x16xf32, #tpu.memory_space<vmem>> -> memref<80x16xf32, #tpu.memory_space<vmem>>
      tpu.enqueue_dma source(%dma_start3A_91 : memref<80x16xf32, #tpu.memory_space<vmem>>) target(%dma_start3A_88 : memref<80x16xf32, #tpu.memory_space<vmem_shared>>) target_semaphore(%run_scoped3A : memref<!tpu.dma_semaphore, #tpu.memory_space<semaphore_mem>>)
      %dma_wait3A_92 = arith.constant 0 : i32
      %dma_wait3A_93 = arith.constant 0 : i32
      %dma_wait3A_94 = tpu.memref_slice %arg11[%dma_wait3A_92, %dma_wait3A_93] : memref<125x16xf32, #tpu.memory_space<vmem>> -> memref<80x16xf32, #tpu.memory_space<vmem>>
      %dma_wait3A_95 = arith.constant 0 : i32
      %dma_wait3A_96 = tpu.memref_slice %arg14[%add3A_30, %dma_wait3A_95] : memref<10240x16xf32, #tpu.memory_space<vmem_shared>> -> memref<80x16xf32, #tpu.memory_space<vmem_shared>>
      %dma_wait3A_97 = arith.constant 0 : i32
      %dma_wait3A_98 = tpu.memref_slice %arg14[%add3A_30, %dma_wait3A_97] : memref<10240x16xf32, #tpu.memory_space<vmem_shared>> -> memref<80x16xf32, #tpu.memory_space<vmem_shared>>
      %dma_wait3A_99 = arith.constant 0 : i32
      %dma_wait3A_100 = arith.constant 0 : i32
      %dma_wait3A_101 = tpu.memref_slice %arg11[%dma_wait3A_99, %dma_wait3A_100] : memref<125x16xf32, #tpu.memory_space<vmem>> -> memref<80x16xf32, #tpu.memory_space<vmem>>
      tpu.wait_dma2 semaphore(%run_scoped3A : memref<!tpu.dma_semaphore, #tpu.memory_space<semaphore_mem>>) src(%dma_wait3A_101 : memref<80x16xf32, #tpu.memory_space<vmem>>) dst(%dma_wait3A_98 : memref<80x16xf32, #tpu.memory_space<vmem_shared>>)
      tpu.yield
    }) : () -> ()
    %add3A_31 = arith.constant 320 : i32
    %add3A_32 = arith.addi %mul3A_2, %add3A_31 : i32
    "tpu.region"() ({
      %run_scoped3A = tpu.sem_alloc : memref<!tpu.dma_semaphore, #tpu.memory_space<semaphore_mem>>
      %dma_start3A_82 = arith.constant 0 : i32
      %dma_start3A_83 = arith.constant 0 : i32
      %dma_start3A_84 = tpu.memref_slice %arg9[%dma_start3A_82, %dma_start3A_83] : memref<125x128xbf16, #tpu.memory_space<vmem>> -> memref<80x128xbf16, #tpu.memory_space<vmem>>
      %dma_start3A_85 = arith.constant 0 : i32
      %dma_start3A_86 = tpu.memref_slice %arg13[%add3A_32, %dma_start3A_85] : memref<10240x128xbf16, #tpu.memory_space<vmem_shared>> -> memref<80x128xbf16, #tpu.memory_space<vmem_shared>>
      %dma_start3A_87 = arith.constant 0 : i32
      %dma_start3A_88 = tpu.memref_slice %arg13[%add3A_32, %dma_start3A_87] : memref<10240x128xbf16, #tpu.memory_space<vmem_shared>> -> memref<80x128xbf16, #tpu.memory_space<vmem_shared>>
      %dma_start3A_89 = arith.constant 0 : i32
      %dma_start3A_90 = arith.constant 0 : i32
      %dma_start3A_91 = tpu.memref_slice %arg9[%dma_start3A_89, %dma_start3A_90] : memref<125x128xbf16, #tpu.memory_space<vmem>> -> memref<80x128xbf16, #tpu.memory_space<vmem>>
      tpu.enqueue_dma source(%dma_start3A_91 : memref<80x128xbf16, #tpu.memory_space<vmem>>) target(%dma_start3A_88 : memref<80x128xbf16, #tpu.memory_space<vmem_shared>>) target_semaphore(%run_scoped3A : memref<!tpu.dma_semaphore, #tpu.memory_space<semaphore_mem>>)
      %dma_wait3A_92 = arith.constant 0 : i32
      %dma_wait3A_93 = arith.constant 0 : i32
      %dma_wait3A_94 = tpu.memref_slice %arg9[%dma_wait3A_92, %dma_wait3A_93] : memref<125x128xbf16, #tpu.memory_space<vmem>> -> memref<80x128xbf16, #tpu.memory_space<vmem>>
      %dma_wait3A_95 = arith.constant 0 : i32
      %dma_wait3A_96 = tpu.memref_slice %arg13[%add3A_32, %dma_wait3A_95] : memref<10240x128xbf16, #tpu.memory_space<vmem_shared>> -> memref<80x128xbf16, #tpu.memory_space<vmem_shared>>
      %dma_wait3A_97 = arith.constant 0 : i32
      %dma_wait3A_98 = tpu.memref_slice %arg13[%add3A_32, %dma_wait3A_97] : memref<10240x128xbf16, #tpu.memory_space<vmem_shared>> -> memref<80x128xbf16, #tpu.memory_space<vmem_shared>>
      %dma_wait3A_99 = arith.constant 0 : i32
      %dma_wait3A_100 = arith.constant 0 : i32
      %dma_wait3A_101 = tpu.memref_slice %arg9[%dma_wait3A_99, %dma_wait3A_100] : memref<125x128xbf16, #tpu.memory_space<vmem>> -> memref<80x128xbf16, #tpu.memory_space<vmem>>
      tpu.wait_dma2 semaphore(%run_scoped3A : memref<!tpu.dma_semaphore, #tpu.memory_space<semaphore_mem>>) src(%dma_wait3A_101 : memref<80x128xbf16, #tpu.memory_space<vmem>>) dst(%dma_wait3A_98 : memref<80x128xbf16, #tpu.memory_space<vmem_shared>>)
      tpu.yield
    }) : () -> ()
    "tpu.region"() ({
      %run_scoped3A = tpu.sem_alloc : memref<!tpu.dma_semaphore, #tpu.memory_space<semaphore_mem>>
      %dma_start3A_82 = arith.constant 0 : i32
      %dma_start3A_83 = arith.constant 0 : i32
      %dma_start3A_84 = tpu.memref_slice %arg11[%dma_start3A_82, %dma_start3A_83] : memref<125x16xf32, #tpu.memory_space<vmem>> -> memref<80x16xf32, #tpu.memory_space<vmem>>
      %dma_start3A_85 = arith.constant 0 : i32
      %dma_start3A_86 = tpu.memref_slice %arg14[%add3A_32, %dma_start3A_85] : memref<10240x16xf32, #tpu.memory_space<vmem_shared>> -> memref<80x16xf32, #tpu.memory_space<vmem_shared>>
      %dma_start3A_87 = arith.constant 0 : i32
      %dma_start3A_88 = tpu.memref_slice %arg14[%add3A_32, %dma_start3A_87] : memref<10240x16xf32, #tpu.memory_space<vmem_shared>> -> memref<80x16xf32, #tpu.memory_space<vmem_shared>>
      %dma_start3A_89 = arith.constant 0 : i32
      %dma_start3A_90 = arith.constant 0 : i32
      %dma_start3A_91 = tpu.memref_slice %arg11[%dma_start3A_89, %dma_start3A_90] : memref<125x16xf32, #tpu.memory_space<vmem>> -> memref<80x16xf32, #tpu.memory_space<vmem>>
      tpu.enqueue_dma source(%dma_start3A_91 : memref<80x16xf32, #tpu.memory_space<vmem>>) target(%dma_start3A_88 : memref<80x16xf32, #tpu.memory_space<vmem_shared>>) target_semaphore(%run_scoped3A : memref<!tpu.dma_semaphore, #tpu.memory_space<semaphore_mem>>)
      %dma_wait3A_92 = arith.constant 0 : i32
      %dma_wait3A_93 = arith.constant 0 : i32
      %dma_wait3A_94 = tpu.memref_slice %arg11[%dma_wait3A_92, %dma_wait3A_93] : memref<125x16xf32, #tpu.memory_space<vmem>> -> memref<80x16xf32, #tpu.memory_space<vmem>>
      %dma_wait3A_95 = arith.constant 0 : i32
      %dma_wait3A_96 = tpu.memref_slice %arg14[%add3A_32, %dma_wait3A_95] : memref<10240x16xf32, #tpu.memory_space<vmem_shared>> -> memref<80x16xf32, #tpu.memory_space<vmem_shared>>
      %dma_wait3A_97 = arith.constant 0 : i32
      %dma_wait3A_98 = tpu.memref_slice %arg14[%add3A_32, %dma_wait3A_97] : memref<10240x16xf32, #tpu.memory_space<vmem_shared>> -> memref<80x16xf32, #tpu.memory_space<vmem_shared>>
      %dma_wait3A_99 = arith.constant 0 : i32
      %dma_wait3A_100 = arith.constant 0 : i32
      %dma_wait3A_101 = tpu.memref_slice %arg11[%dma_wait3A_99, %dma_wait3A_100] : memref<125x16xf32, #tpu.memory_space<vmem>> -> memref<80x16xf32, #tpu.memory_space<vmem>>
      tpu.wait_dma2 semaphore(%run_scoped3A : memref<!tpu.dma_semaphore, #tpu.memory_space<semaphore_mem>>) src(%dma_wait3A_101 : memref<80x16xf32, #tpu.memory_space<vmem>>) dst(%dma_wait3A_98 : memref<80x16xf32, #tpu.memory_space<vmem_shared>>)
      tpu.yield
    }) : () -> ()
    %add3A_33 = arith.constant 400 : i32
    %add3A_34 = arith.addi %mul3A_2, %add3A_33 : i32
    "tpu.region"() ({
      %run_scoped3A = tpu.sem_alloc : memref<!tpu.dma_semaphore, #tpu.memory_space<semaphore_mem>>
      %dma_start3A_82 = arith.constant 0 : i32
      %dma_start3A_83 = arith.constant 0 : i32
      %dma_start3A_84 = tpu.memref_slice %arg9[%dma_start3A_82, %dma_start3A_83] : memref<125x128xbf16, #tpu.memory_space<vmem>> -> memref<80x128xbf16, #tpu.memory_space<vmem>>
      %dma_start3A_85 = arith.constant 0 : i32
      %dma_start3A_86 = tpu.memref_slice %arg13[%add3A_34, %dma_start3A_85] : memref<10240x128xbf16, #tpu.memory_space<vmem_shared>> -> memref<80x128xbf16, #tpu.memory_space<vmem_shared>>
      %dma_start3A_87 = arith.constant 0 : i32
      %dma_start3A_88 = tpu.memref_slice %arg13[%add3A_34, %dma_start3A_87] : memref<10240x128xbf16, #tpu.memory_space<vmem_shared>> -> memref<80x128xbf16, #tpu.memory_space<vmem_shared>>
      %dma_start3A_89 = arith.constant 0 : i32
      %dma_start3A_90 = arith.constant 0 : i32
      %dma_start3A_91 = tpu.memref_slice %arg9[%dma_start3A_89, %dma_start3A_90] : memref<125x128xbf16, #tpu.memory_space<vmem>> -> memref<80x128xbf16, #tpu.memory_space<vmem>>
      tpu.enqueue_dma source(%dma_start3A_91 : memref<80x128xbf16, #tpu.memory_space<vmem>>) target(%dma_start3A_88 : memref<80x128xbf16, #tpu.memory_space<vmem_shared>>) target_semaphore(%run_scoped3A : memref<!tpu.dma_semaphore, #tpu.memory_space<semaphore_mem>>)
      %dma_wait3A_92 = arith.constant 0 : i32
      %dma_wait3A_93 = arith.constant 0 : i32
      %dma_wait3A_94 = tpu.memref_slice %arg9[%dma_wait3A_92, %dma_wait3A_93] : memref<125x128xbf16, #tpu.memory_space<vmem>> -> memref<80x128xbf16, #tpu.memory_space<vmem>>
      %dma_wait3A_95 = arith.constant 0 : i32
      %dma_wait3A_96 = tpu.memref_slice %arg13[%add3A_34, %dma_wait3A_95] : memref<10240x128xbf16, #tpu.memory_space<vmem_shared>> -> memref<80x128xbf16, #tpu.memory_space<vmem_shared>>
      %dma_wait3A_97 = arith.constant 0 : i32
      %dma_wait3A_98 = tpu.memref_slice %arg13[%add3A_34, %dma_wait3A_97] : memref<10240x128xbf16, #tpu.memory_space<vmem_shared>> -> memref<80x128xbf16, #tpu.memory_space<vmem_shared>>
      %dma_wait3A_99 = arith.constant 0 : i32
      %dma_wait3A_100 = arith.constant 0 : i32
      %dma_wait3A_101 = tpu.memref_slice %arg9[%dma_wait3A_99, %dma_wait3A_100] : memref<125x128xbf16, #tpu.memory_space<vmem>> -> memref<80x128xbf16, #tpu.memory_space<vmem>>
      tpu.wait_dma2 semaphore(%run_scoped3A : memref<!tpu.dma_semaphore, #tpu.memory_space<semaphore_mem>>) src(%dma_wait3A_101 : memref<80x128xbf16, #tpu.memory_space<vmem>>) dst(%dma_wait3A_98 : memref<80x128xbf16, #tpu.memory_space<vmem_shared>>)
      tpu.yield
    }) : () -> ()
    "tpu.region"() ({
      %run_scoped3A = tpu.sem_alloc : memref<!tpu.dma_semaphore, #tpu.memory_space<semaphore_mem>>
      %dma_start3A_82 = arith.constant 0 : i32
      %dma_start3A_83 = arith.constant 0 : i32
      %dma_start3A_84 = tpu.memref_slice %arg11[%dma_start3A_82, %dma_start3A_83] : memref<125x16xf32, #tpu.memory_space<vmem>> -> memref<80x16xf32, #tpu.memory_space<vmem>>
      %dma_start3A_85 = arith.constant 0 : i32
      %dma_start3A_86 = tpu.memref_slice %arg14[%add3A_34, %dma_start3A_85] : memref<10240x16xf32, #tpu.memory_space<vmem_shared>> -> memref<80x16xf32, #tpu.memory_space<vmem_shared>>
      %dma_start3A_87 = arith.constant 0 : i32
      %dma_start3A_88 = tpu.memref_slice %arg14[%add3A_34, %dma_start3A_87] : memref<10240x16xf32, #tpu.memory_space<vmem_shared>> -> memref<80x16xf32, #tpu.memory_space<vmem_shared>>
      %dma_start3A_89 = arith.constant 0 : i32
      %dma_start3A_90 = arith.constant 0 : i32
      %dma_start3A_91 = tpu.memref_slice %arg11[%dma_start3A_89, %dma_start3A_90] : memref<125x16xf32, #tpu.memory_space<vmem>> -> memref<80x16xf32, #tpu.memory_space<vmem>>
      tpu.enqueue_dma source(%dma_start3A_91 : memref<80x16xf32, #tpu.memory_space<vmem>>) target(%dma_start3A_88 : memref<80x16xf32, #tpu.memory_space<vmem_shared>>) target_semaphore(%run_scoped3A : memref<!tpu.dma_semaphore, #tpu.memory_space<semaphore_mem>>)
      %dma_wait3A_92 = arith.constant 0 : i32
      %dma_wait3A_93 = arith.constant 0 : i32
      %dma_wait3A_94 = tpu.memref_slice %arg11[%dma_wait3A_92, %dma_wait3A_93] : memref<125x16xf32, #tpu.memory_space<vmem>> -> memref<80x16xf32, #tpu.memory_space<vmem>>
      %dma_wait3A_95 = arith.constant 0 : i32
      %dma_wait3A_96 = tpu.memref_slice %arg14[%add3A_34, %dma_wait3A_95] : memref<10240x16xf32, #tpu.memory_space<vmem_shared>> -> memref<80x16xf32, #tpu.memory_space<vmem_shared>>
      %dma_wait3A_97 = arith.constant 0 : i32
      %dma_wait3A_98 = tpu.memref_slice %arg14[%add3A_34, %dma_wait3A_97] : memref<10240x16xf32, #tpu.memory_space<vmem_shared>> -> memref<80x16xf32, #tpu.memory_space<vmem_shared>>
      %dma_wait3A_99 = arith.constant 0 : i32
      %dma_wait3A_100 = arith.constant 0 : i32
      %dma_wait3A_101 = tpu.memref_slice %arg11[%dma_wait3A_99, %dma_wait3A_100] : memref<125x16xf32, #tpu.memory_space<vmem>> -> memref<80x16xf32, #tpu.memory_space<vmem>>
      tpu.wait_dma2 semaphore(%run_scoped3A : memref<!tpu.dma_semaphore, #tpu.memory_space<semaphore_mem>>) src(%dma_wait3A_101 : memref<80x16xf32, #tpu.memory_space<vmem>>) dst(%dma_wait3A_98 : memref<80x16xf32, #tpu.memory_space<vmem_shared>>)
      tpu.yield
    }) : () -> ()
    %add3A_35 = arith.constant 480 : i32
    %add3A_36 = arith.addi %mul3A_2, %add3A_35 : i32
    "tpu.region"() ({
      %run_scoped3A = tpu.sem_alloc : memref<!tpu.dma_semaphore, #tpu.memory_space<semaphore_mem>>
      %dma_start3A_82 = arith.constant 0 : i32
      %dma_start3A_83 = arith.constant 0 : i32
      %dma_start3A_84 = tpu.memref_slice %arg9[%dma_start3A_82, %dma_start3A_83] : memref<125x128xbf16, #tpu.memory_space<vmem>> -> memref<80x128xbf16, #tpu.memory_space<vmem>>
      %dma_start3A_85 = arith.constant 0 : i32
      %dma_start3A_86 = tpu.memref_slice %arg13[%add3A_36, %dma_start3A_85] : memref<10240x128xbf16, #tpu.memory_space<vmem_shared>> -> memref<80x128xbf16, #tpu.memory_space<vmem_shared>>
      %dma_start3A_87 = arith.constant 0 : i32
      %dma_start3A_88 = tpu.memref_slice %arg13[%add3A_36, %dma_start3A_87] : memref<10240x128xbf16, #tpu.memory_space<vmem_shared>> -> memref<80x128xbf16, #tpu.memory_space<vmem_shared>>
      %dma_start3A_89 = arith.constant 0 : i32
      %dma_start3A_90 = arith.constant 0 : i32
      %dma_start3A_91 = tpu.memref_slice %arg9[%dma_start3A_89, %dma_start3A_90] : memref<125x128xbf16, #tpu.memory_space<vmem>> -> memref<80x128xbf16, #tpu.memory_space<vmem>>
      tpu.enqueue_dma source(%dma_start3A_91 : memref<80x128xbf16, #tpu.memory_space<vmem>>) target(%dma_start3A_88 : memref<80x128xbf16, #tpu.memory_space<vmem_shared>>) target_semaphore(%run_scoped3A : memref<!tpu.dma_semaphore, #tpu.memory_space<semaphore_mem>>)
      %dma_wait3A_92 = arith.constant 0 : i32
      %dma_wait3A_93 = arith.constant 0 : i32
      %dma_wait3A_94 = tpu.memref_slice %arg9[%dma_wait3A_92, %dma_wait3A_93] : memref<125x128xbf16, #tpu.memory_space<vmem>> -> memref<80x128xbf16, #tpu.memory_space<vmem>>
      %dma_wait3A_95 = arith.constant 0 : i32
      %dma_wait3A_96 = tpu.memref_slice %arg13[%add3A_36, %dma_wait3A_95] : memref<10240x128xbf16, #tpu.memory_space<vmem_shared>> -> memref<80x128xbf16, #tpu.memory_space<vmem_shared>>
      %dma_wait3A_97 = arith.constant 0 : i32
      %dma_wait3A_98 = tpu.memref_slice %arg13[%add3A_36, %dma_wait3A_97] : memref<10240x128xbf16, #tpu.memory_space<vmem_shared>> -> memref<80x128xbf16, #tpu.memory_space<vmem_shared>>
      %dma_wait3A_99 = arith.constant 0 : i32
      %dma_wait3A_100 = arith.constant 0 : i32
      %dma_wait3A_101 = tpu.memref_slice %arg9[%dma_wait3A_99, %dma_wait3A_100] : memref<125x128xbf16, #tpu.memory_space<vmem>> -> memref<80x128xbf16, #tpu.memory_space<vmem>>
      tpu.wait_dma2 semaphore(%run_scoped3A : memref<!tpu.dma_semaphore, #tpu.memory_space<semaphore_mem>>) src(%dma_wait3A_101 : memref<80x128xbf16, #tpu.memory_space<vmem>>) dst(%dma_wait3A_98 : memref<80x128xbf16, #tpu.memory_space<vmem_shared>>)
      tpu.yield
    }) : () -> ()
    "tpu.region"() ({
      %run_scoped3A = tpu.sem_alloc : memref<!tpu.dma_semaphore, #tpu.memory_space<semaphore_mem>>
      %dma_start3A_82 = arith.constant 0 : i32
      %dma_start3A_83 = arith.constant 0 : i32
      %dma_start3A_84 = tpu.memref_slice %arg11[%dma_start3A_82, %dma_start3A_83] : memref<125x16xf32, #tpu.memory_space<vmem>> -> memref<80x16xf32, #tpu.memory_space<vmem>>
      %dma_start3A_85 = arith.constant 0 : i32
      %dma_start3A_86 = tpu.memref_slice %arg14[%add3A_36, %dma_start3A_85] : memref<10240x16xf32, #tpu.memory_space<vmem_shared>> -> memref<80x16xf32, #tpu.memory_space<vmem_shared>>
      %dma_start3A_87 = arith.constant 0 : i32
      %dma_start3A_88 = tpu.memref_slice %arg14[%add3A_36, %dma_start3A_87] : memref<10240x16xf32, #tpu.memory_space<vmem_shared>> -> memref<80x16xf32, #tpu.memory_space<vmem_shared>>
      %dma_start3A_89 = arith.constant 0 : i32
      %dma_start3A_90 = arith.constant 0 : i32
      %dma_start3A_91 = tpu.memref_slice %arg11[%dma_start3A_89, %dma_start3A_90] : memref<125x16xf32, #tpu.memory_space<vmem>> -> memref<80x16xf32, #tpu.memory_space<vmem>>
      tpu.enqueue_dma source(%dma_start3A_91 : memref<80x16xf32, #tpu.memory_space<vmem>>) target(%dma_start3A_88 : memref<80x16xf32, #tpu.memory_space<vmem_shared>>) target_semaphore(%run_scoped3A : memref<!tpu.dma_semaphore, #tpu.memory_space<semaphore_mem>>)
      %dma_wait3A_92 = arith.constant 0 : i32
      %dma_wait3A_93 = arith.constant 0 : i32
      %dma_wait3A_94 = tpu.memref_slice %arg11[%dma_wait3A_92, %dma_wait3A_93] : memref<125x16xf32, #tpu.memory_space<vmem>> -> memref<80x16xf32, #tpu.memory_space<vmem>>
      %dma_wait3A_95 = arith.constant 0 : i32
      %dma_wait3A_96 = tpu.memref_slice %arg14[%add3A_36, %dma_wait3A_95] : memref<10240x16xf32, #tpu.memory_space<vmem_shared>> -> memref<80x16xf32, #tpu.memory_space<vmem_shared>>
      %dma_wait3A_97 = arith.constant 0 : i32
      %dma_wait3A_98 = tpu.memref_slice %arg14[%add3A_36, %dma_wait3A_97] : memref<10240x16xf32, #tpu.memory_space<vmem_shared>> -> memref<80x16xf32, #tpu.memory_space<vmem_shared>>
      %dma_wait3A_99 = arith.constant 0 : i32
      %dma_wait3A_100 = arith.constant 0 : i32
      %dma_wait3A_101 = tpu.memref_slice %arg11[%dma_wait3A_99, %dma_wait3A_100] : memref<125x16xf32, #tpu.memory_space<vmem>> -> memref<80x16xf32, #tpu.memory_space<vmem>>
      tpu.wait_dma2 semaphore(%run_scoped3A : memref<!tpu.dma_semaphore, #tpu.memory_space<semaphore_mem>>) src(%dma_wait3A_101 : memref<80x16xf32, #tpu.memory_space<vmem>>) dst(%dma_wait3A_98 : memref<80x16xf32, #tpu.memory_space<vmem_shared>>)
      tpu.yield
    }) : () -> ()
    %add3A_37 = arith.constant 560 : i32
    %add3A_38 = arith.addi %mul3A_2, %add3A_37 : i32
    "tpu.region"() ({
      %run_scoped3A = tpu.sem_alloc : memref<!tpu.dma_semaphore, #tpu.memory_space<semaphore_mem>>
      %dma_start3A_82 = arith.constant 0 : i32
      %dma_start3A_83 = arith.constant 0 : i32
      %dma_start3A_84 = tpu.memref_slice %arg9[%dma_start3A_82, %dma_start3A_83] : memref<125x128xbf16, #tpu.memory_space<vmem>> -> memref<80x128xbf16, #tpu.memory_space<vmem>>
      %dma_start3A_85 = arith.constant 0 : i32
      %dma_start3A_86 = tpu.memref_slice %arg13[%add3A_38, %dma_start3A_85] : memref<10240x128xbf16, #tpu.memory_space<vmem_shared>> -> memref<80x128xbf16, #tpu.memory_space<vmem_shared>>
      %dma_start3A_87 = arith.constant 0 : i32
      %dma_start3A_88 = tpu.memref_slice %arg13[%add3A_38, %dma_start3A_87] : memref<10240x128xbf16, #tpu.memory_space<vmem_shared>> -> memref<80x128xbf16, #tpu.memory_space<vmem_shared>>
      %dma_start3A_89 = arith.constant 0 : i32
      %dma_start3A_90 = arith.constant 0 : i32
      %dma_start3A_91 = tpu.memref_slice %arg9[%dma_start3A_89, %dma_start3A_90] : memref<125x128xbf16, #tpu.memory_space<vmem>> -> memref<80x128xbf16, #tpu.memory_space<vmem>>
      tpu.enqueue_dma source(%dma_start3A_91 : memref<80x128xbf16, #tpu.memory_space<vmem>>) target(%dma_start3A_88 : memref<80x128xbf16, #tpu.memory_space<vmem_shared>>) target_semaphore(%run_scoped3A : memref<!tpu.dma_semaphore, #tpu.memory_space<semaphore_mem>>)
      %dma_wait3A_92 = arith.constant 0 : i32
      %dma_wait3A_93 = arith.constant 0 : i32
      %dma_wait3A_94 = tpu.memref_slice %arg9[%dma_wait3A_92, %dma_wait3A_93] : memref<125x128xbf16, #tpu.memory_space<vmem>> -> memref<80x128xbf16, #tpu.memory_space<vmem>>
      %dma_wait3A_95 = arith.constant 0 : i32
      %dma_wait3A_96 = tpu.memref_slice %arg13[%add3A_38, %dma_wait3A_95] : memref<10240x128xbf16, #tpu.memory_space<vmem_shared>> -> memref<80x128xbf16, #tpu.memory_space<vmem_shared>>
      %dma_wait3A_97 = arith.constant 0 : i32
      %dma_wait3A_98 = tpu.memref_slice %arg13[%add3A_38, %dma_wait3A_97] : memref<10240x128xbf16, #tpu.memory_space<vmem_shared>> -> memref<80x128xbf16, #tpu.memory_space<vmem_shared>>
      %dma_wait3A_99 = arith.constant 0 : i32
      %dma_wait3A_100 = arith.constant 0 : i32
      %dma_wait3A_101 = tpu.memref_slice %arg9[%dma_wait3A_99, %dma_wait3A_100] : memref<125x128xbf16, #tpu.memory_space<vmem>> -> memref<80x128xbf16, #tpu.memory_space<vmem>>
      tpu.wait_dma2 semaphore(%run_scoped3A : memref<!tpu.dma_semaphore, #tpu.memory_space<semaphore_mem>>) src(%dma_wait3A_101 : memref<80x128xbf16, #tpu.memory_space<vmem>>) dst(%dma_wait3A_98 : memref<80x128xbf16, #tpu.memory_space<vmem_shared>>)
      tpu.yield
    }) : () -> ()
    "tpu.region"() ({
      %run_scoped3A = tpu.sem_alloc : memref<!tpu.dma_semaphore, #tpu.memory_space<semaphore_mem>>
      %dma_start3A_82 = arith.constant 0 : i32
      %dma_start3A_83 = arith.constant 0 : i32
      %dma_start3A_84 = tpu.memref_slice %arg11[%dma_start3A_82, %dma_start3A_83] : memref<125x16xf32, #tpu.memory_space<vmem>> -> memref<80x16xf32, #tpu.memory_space<vmem>>
      %dma_start3A_85 = arith.constant 0 : i32
      %dma_start3A_86 = tpu.memref_slice %arg14[%add3A_38, %dma_start3A_85] : memref<10240x16xf32, #tpu.memory_space<vmem_shared>> -> memref<80x16xf32, #tpu.memory_space<vmem_shared>>
      %dma_start3A_87 = arith.constant 0 : i32
      %dma_start3A_88 = tpu.memref_slice %arg14[%add3A_38, %dma_start3A_87] : memref<10240x16xf32, #tpu.memory_space<vmem_shared>> -> memref<80x16xf32, #tpu.memory_space<vmem_shared>>
      %dma_start3A_89 = arith.constant 0 : i32
      %dma_start3A_90 = arith.constant 0 : i32
      %dma_start3A_91 = tpu.memref_slice %arg11[%dma_start3A_89, %dma_start3A_90] : memref<125x16xf32, #tpu.memory_space<vmem>> -> memref<80x16xf32, #tpu.memory_space<vmem>>
      tpu.enqueue_dma source(%dma_start3A_91 : memref<80x16xf32, #tpu.memory_space<vmem>>) target(%dma_start3A_88 : memref<80x16xf32, #tpu.memory_space<vmem_shared>>) target_semaphore(%run_scoped3A : memref<!tpu.dma_semaphore, #tpu.memory_space<semaphore_mem>>)
      %dma_wait3A_92 = arith.constant 0 : i32
      %dma_wait3A_93 = arith.constant 0 : i32
      %dma_wait3A_94 = tpu.memref_slice %arg11[%dma_wait3A_92, %dma_wait3A_93] : memref<125x16xf32, #tpu.memory_space<vmem>> -> memref<80x16xf32, #tpu.memory_space<vmem>>
      %dma_wait3A_95 = arith.constant 0 : i32
      %dma_wait3A_96 = tpu.memref_slice %arg14[%add3A_38, %dma_wait3A_95] : memref<10240x16xf32, #tpu.memory_space<vmem_shared>> -> memref<80x16xf32, #tpu.memory_space<vmem_shared>>
      %dma_wait3A_97 = arith.constant 0 : i32
      %dma_wait3A_98 = tpu.memref_slice %arg14[%add3A_38, %dma_wait3A_97] : memref<10240x16xf32, #tpu.memory_space<vmem_shared>> -> memref<80x16xf32, #tpu.memory_space<vmem_shared>>
      %dma_wait3A_99 = arith.constant 0 : i32
      %dma_wait3A_100 = arith.constant 0 : i32
      %dma_wait3A_101 = tpu.memref_slice %arg11[%dma_wait3A_99, %dma_wait3A_100] : memref<125x16xf32, #tpu.memory_space<vmem>> -> memref<80x16xf32, #tpu.memory_space<vmem>>
      tpu.wait_dma2 semaphore(%run_scoped3A : memref<!tpu.dma_semaphore, #tpu.memory_space<semaphore_mem>>) src(%dma_wait3A_101 : memref<80x16xf32, #tpu.memory_space<vmem>>) dst(%dma_wait3A_98 : memref<80x16xf32, #tpu.memory_space<vmem_shared>>)
      tpu.yield
    }) : () -> ()
    %broadcast_in_dim3A_39 = arith.constant 1.000000e+00 : f32
    %broadcast_in_dim3A_40 = vector.broadcast %broadcast_in_dim3A_39 : f32 to vector<16xf32>
    %scan3A_41 = arith.constant 0 : i32
    %scan3A_42 = arith.constant 0 : i32
    %scan3A_43 = arith.constant 125 : i32
    %scan3A_44 = arith.addi %scan3A_42, %scan3A_43 : i32
    %scan3A_45 = arith.constant 1 : i32
    scf.for %scan3A_82 = %scan3A_42 to %scan3A_44 step %scan3A_45  : i32 {
      %swap3A = arith.index_cast %scan3A_82 : i32 to index
      %swap3A_83 = arith.constant 0 : index
      %swap3A_84 = tpu.vector_load %arg11[%swap3A, %swap3A_83] {strides = array<i32>} : memref<125x16xf32, #tpu.memory_space<vmem>>, vector<1x16xf32>,
      %swap3A_85 = vector.shape_cast %swap3A_84 : vector<1x16xf32> to vector<16xf32>
      %swap3A_86 = vector.shape_cast %broadcast_in_dim3A_40 : vector<16xf32> to vector<1x16xf32>
      tpu.vector_store %arg11[%swap3A, %swap3A_83], %swap3A_86 {strides = array<i32>} : memref<125x16xf32, #tpu.memory_space<vmem>>, vector<1x16xf32>,
    }
    %scan3A_46 = arith.constant 125 : i32
    %barrier3A = arith.constant 0 : index
    tpu.barrier barrier_id(%barrier3A)
    %dma_start3A = arith.constant 0 : i32
    %dma_start3A_47 = arith.constant 0 : i32
    %dma_start3A_48 = tpu.memref_slice %arg7[%dma_start3A, %dma_start3A_47] : memref<80x125xi32, #tpu.memory_space<vmem>> -> memref<1x125xi32, #tpu.memory_space<vmem>>
    %dma_start3A_49 = tpu.memref_squeeze %dma_start3A_48 : memref<1x125xi32, #tpu.memory_space<vmem>> -> memref<125xi32, #tpu.memory_space<vmem>>
    %dma_start3A_50 = arith.constant 0 : i32
    %dma_start3A_51 = arith.constant 0 : i32
    %dma_start3A_52 = tpu.memref_slice %arg12[%dma_start3A_50, %dma_start3A_51] : memref<10240x128xbf16, #tpu.memory_space<vmem_shared>> -> memref<10240x128xbf16, #tpu.memory_space<vmem_shared>>
    tpu.enqueue_indirect_dma source(%dma_start3A_52 : memref<10240x128xbf16, #tpu.memory_space<vmem_shared>>) target(%arg9 : memref<125x128xbf16, #tpu.memory_space<vmem>>) offsets(%dma_start3A_49 : memref<125xi32, #tpu.memory_space<vmem>>) semaphore(%arg15 : memref<!tpu.dma_semaphore, #tpu.memory_space<semaphore_mem>>)
    %dma_start3A_53 = arith.constant 1 : i32
    %dma_start3A_54 = arith.constant 0 : i32
    %dma_start3A_55 = tpu.memref_slice %arg7[%dma_start3A_53, %dma_start3A_54] : memref<80x125xi32, #tpu.memory_space<vmem>> -> memref<1x125xi32, #tpu.memory_space<vmem>>
    %dma_start3A_56 = tpu.memref_squeeze %dma_start3A_55 : memref<1x125xi32, #tpu.memory_space<vmem>> -> memref<125xi32, #tpu.memory_space<vmem>>
    %dma_start3A_57 = arith.constant 0 : i32
    %dma_start3A_58 = arith.constant 0 : i32
    %dma_start3A_59 = tpu.memref_slice %arg12[%dma_start3A_57, %dma_start3A_58] : memref<10240x128xbf16, #tpu.memory_space<vmem_shared>> -> memref<10240x128xbf16, #tpu.memory_space<vmem_shared>>
    tpu.enqueue_indirect_dma source(%dma_start3A_59 : memref<10240x128xbf16, #tpu.memory_space<vmem_shared>>) target(%arg10 : memref<125x128xbf16, #tpu.memory_space<vmem>>) offsets(%dma_start3A_56 : memref<125xi32, #tpu.memory_space<vmem>>) semaphore(%arg16 : memref<!tpu.dma_semaphore, #tpu.memory_space<semaphore_mem>>)
    %scan3A_60 = arith.constant 0 : i32
    %scan3A_61 = arith.constant 0 : i32
    %scan3A_62 = arith.constant 40 : i32
    %scan3A_63 = arith.addi %scan3A_61, %scan3A_62 : i32
    %scan3A_64 = arith.constant 1 : i32
    scf.for %scan3A_82 = %scan3A_61 to %scan3A_63 step %scan3A_64  : i32 {
      %mul3A_83 = arith.constant 2 : i32
      %mul3A_84 = arith.muli %mul3A_83, %scan3A_82 : i32
      %add3A_85 = arith.constant 0 : i32
      %add3A_86 = arith.addi %mul3A_84, %add3A_85 : i32
      %dma_wait3A_87 = arith.constant 0 : i32
      %dma_wait3A_88 = arith.constant 0 : i32
      %dma_wait3A_89 = tpu.memref_slice %arg2[%dma_wait3A_87, %dma_wait3A_88] : memref<10000x128xbf16, #tpu.memory_space<hbm>> -> memref<125x128xbf16, #tpu.memory_space<hbm>>
      %dma_wait3A_90 = arith.constant 0 : i32
      %dma_wait3A_91 = arith.constant 0 : i32
      %dma_wait3A_92 = tpu.memref_slice %arg2[%dma_wait3A_90, %dma_wait3A_91] : memref<10000x128xbf16, #tpu.memory_space<hbm>> -> memref<125x128xbf16, #tpu.memory_space<hbm>>
      tpu.wait_dma2 semaphore(%arg15 : memref<!tpu.dma_semaphore, #tpu.memory_space<semaphore_mem>>) src(%dma_wait3A_92 : memref<125x128xbf16, #tpu.memory_space<hbm>>) dst(%arg9 : memref<125x128xbf16, #tpu.memory_space<vmem>>)
      %ge3A = arith.constant 2 : i32
      %ge3A_93 = arith.cmpi sge, %add3A_86, %ge3A : i32
      %convert_element_type3A_94 = arith.extui %ge3A_93 : i1 to i32
      %cond3A_95 = arith.constant 0 : i32
      %cond3A_96 = arith.cmpi ne, %convert_element_type3A_94, %cond3A_95 : i32
      scf.if %cond3A_96 {
        %dma_wait3A_162 = arith.constant 0 : i32
        %dma_wait3A_163 = arith.constant 0 : i32
        %dma_wait3A_164 = tpu.memref_slice %arg6[%arg0, %dma_wait3A_162, %dma_wait3A_163] : memref<2x10240x16xf32, #tpu.memory_space<hbm>> -> memref<1x125x16xf32, #tpu.memory_space<hbm>>
        %dma_wait3A_165 = tpu.memref_squeeze %dma_wait3A_164 : memref<1x125x16xf32, #tpu.memory_space<hbm>> -> memref<125x16xf32, #tpu.memory_space<hbm>>
        %dma_wait3A_166 = arith.constant 0 : i32
        %dma_wait3A_167 = arith.constant 0 : i32
        %dma_wait3A_168 = tpu.memref_slice %arg6[%arg0, %dma_wait3A_166, %dma_wait3A_167] : memref<2x10240x16xf32, #tpu.memory_space<hbm>> -> memref<1x125x16xf32, #tpu.memory_space<hbm>>
        %dma_wait3A_169 = tpu.memref_squeeze %dma_wait3A_168 : memref<1x125x16xf32, #tpu.memory_space<hbm>> -> memref<125x16xf32, #tpu.memory_space<hbm>>
        tpu.wait_dma2 semaphore(%arg19 : memref<!tpu.dma_semaphore, #tpu.memory_space<semaphore_mem>>) src(%dma_wait3A_169 : memref<125x16xf32, #tpu.memory_space<hbm>>) dst(%arg11 : memref<125x16xf32, #tpu.memory_space<vmem>>)
      } else {
      }
      %dma_start3A_97 = arith.constant 0 : i32
      %dma_start3A_98 = tpu.memref_slice %arg8[%add3A_86, %dma_start3A_97] : memref<80x125xi32, #tpu.memory_space<vmem>> -> memref<1x125xi32, #tpu.memory_space<vmem>>
      %dma_start3A_99 = tpu.memref_squeeze %dma_start3A_98 : memref<1x125xi32, #tpu.memory_space<vmem>> -> memref<125xi32, #tpu.memory_space<vmem>>
      %dma_start3A_100 = arith.constant 0 : i32
      %dma_start3A_101 = arith.constant 0 : i32
      %dma_start3A_102 = tpu.memref_slice %arg13[%dma_start3A_100, %dma_start3A_101] : memref<10240x128xbf16, #tpu.memory_space<vmem_shared>> -> memref<10240x128xbf16, #tpu.memory_space<vmem_shared>>
      tpu.enqueue_indirect_dma source(%arg9 : memref<125x128xbf16, #tpu.memory_space<vmem>>) target(%dma_start3A_102 : memref<10240x128xbf16, #tpu.memory_space<vmem_shared>>) offsets(%dma_start3A_99 : memref<125xi32, #tpu.memory_space<vmem>>) semaphore(%arg17 : memref<!tpu.dma_semaphore, #tpu.memory_space<semaphore_mem>>) {add = true}
      %dma_start3A_103 = arith.constant 0 : i32
      %dma_start3A_104 = tpu.memref_slice %arg8[%add3A_86, %dma_start3A_103] : memref<80x125xi32, #tpu.memory_space<vmem>> -> memref<1x125xi32, #tpu.memory_space<vmem>>
      %dma_start3A_105 = tpu.memref_squeeze %dma_start3A_104 : memref<1x125xi32, #tpu.memory_space<vmem>> -> memref<125xi32, #tpu.memory_space<vmem>>
      %dma_start3A_106 = arith.constant 0 : i32
      %dma_start3A_107 = arith.constant 0 : i32
      %dma_start3A_108 = tpu.memref_slice %arg14[%dma_start3A_106, %dma_start3A_107] : memref<10240x16xf32, #tpu.memory_space<vmem_shared>> -> memref<10240x16xf32, #tpu.memory_space<vmem_shared>>
      tpu.enqueue_indirect_dma source(%arg11 : memref<125x16xf32, #tpu.memory_space<vmem>>) target(%dma_start3A_108 : memref<10240x16xf32, #tpu.memory_space<vmem_shared>>) offsets(%dma_start3A_105 : memref<125xi32, #tpu.memory_space<vmem>>) semaphore(%arg19 : memref<!tpu.dma_semaphore, #tpu.memory_space<semaphore_mem>>) {add = true}
      %dma_wait3A_109 = arith.constant 0 : i32
      %dma_wait3A_110 = arith.constant 0 : i32
      %dma_wait3A_111 = tpu.memref_slice %arg2[%dma_wait3A_109, %dma_wait3A_110] : memref<10000x128xbf16, #tpu.memory_space<hbm>> -> memref<125x128xbf16, #tpu.memory_space<hbm>>
      %dma_wait3A_112 = arith.constant 0 : i32
      %dma_wait3A_113 = arith.constant 0 : i32
      %dma_wait3A_114 = tpu.memref_slice %arg2[%dma_wait3A_112, %dma_wait3A_113] : memref<10000x128xbf16, #tpu.memory_space<hbm>> -> memref<125x128xbf16, #tpu.memory_space<hbm>>
      tpu.wait_dma2 semaphore(%arg17 : memref<!tpu.dma_semaphore, #tpu.memory_space<semaphore_mem>>) src(%dma_wait3A_114 : memref<125x128xbf16, #tpu.memory_space<hbm>>) dst(%arg9 : memref<125x128xbf16, #tpu.memory_space<vmem>>)
      %add3A_115 = arith.constant 2 : i32
      %add3A_116 = arith.addi %add3A_86, %add3A_115 : i32
      %lt3A_117 = arith.constant 80 : i32
      %lt3A_118 = arith.cmpi slt, %add3A_116, %lt3A_117 : i32
      %convert_element_type3A_119 = arith.extui %lt3A_118 : i1 to i32
      %cond3A_120 = arith.constant 0 : i32
      %cond3A_121 = arith.cmpi ne, %convert_element_type3A_119, %cond3A_120 : i32
      scf.if %cond3A_121 {
        %add3A_162 = arith.constant 2 : i32
        %add3A_163 = arith.addi %add3A_86, %add3A_162 : i32
        %dma_start3A_164 = arith.constant 0 : i32
        %dma_start3A_165 = tpu.memref_slice %arg7[%add3A_163, %dma_start3A_164] : memref<80x125xi32, #tpu.memory_space<vmem>> -> memref<1x125xi32, #tpu.memory_space<vmem>>
        %dma_start3A_166 = tpu.memref_squeeze %dma_start3A_165 : memref<1x125xi32, #tpu.memory_space<vmem>> -> memref<125xi32, #tpu.memory_space<vmem>>
        %dma_start3A_167 = arith.constant 0 : i32
        %dma_start3A_168 = arith.constant 0 : i32
        %dma_start3A_169 = tpu.memref_slice %arg12[%dma_start3A_167, %dma_start3A_168] : memref<10240x128xbf16, #tpu.memory_space<vmem_shared>> -> memref<10240x128xbf16, #tpu.memory_space<vmem_shared>>
        tpu.enqueue_indirect_dma source(%dma_start3A_169 : memref<10240x128xbf16, #tpu.memory_space<vmem_shared>>) target(%arg9 : memref<125x128xbf16, #tpu.memory_space<vmem>>) offsets(%dma_start3A_166 : memref<125xi32, #tpu.memory_space<vmem>>) semaphore(%arg15 : memref<!tpu.dma_semaphore, #tpu.memory_space<semaphore_mem>>)
      } else {
      }
      %mul3A_122 = arith.constant 2 : i32
      %mul3A_123 = arith.muli %mul3A_122, %scan3A_82 : i32
      %add3A_124 = arith.constant 1 : i32
      %add3A_125 = arith.addi %mul3A_123, %add3A_124 : i32
      %dma_wait3A_126 = arith.constant 0 : i32
      %dma_wait3A_127 = arith.constant 0 : i32
      %dma_wait3A_128 = tpu.memref_slice %arg2[%dma_wait3A_126, %dma_wait3A_127] : memref<10000x128xbf16, #tpu.memory_space<hbm>> -> memref<125x128xbf16, #tpu.memory_space<hbm>>
      %dma_wait3A_129 = arith.constant 0 : i32
      %dma_wait3A_130 = arith.constant 0 : i32
      %dma_wait3A_131 = tpu.memref_slice %arg2[%dma_wait3A_129, %dma_wait3A_130] : memref<10000x128xbf16, #tpu.memory_space<hbm>> -> memref<125x128xbf16, #tpu.memory_space<hbm>>
      tpu.wait_dma2 semaphore(%arg16 : memref<!tpu.dma_semaphore, #tpu.memory_space<semaphore_mem>>) src(%dma_wait3A_131 : memref<125x128xbf16, #tpu.memory_space<hbm>>) dst(%arg10 : memref<125x128xbf16, #tpu.memory_space<vmem>>)
      %ge3A_132 = arith.constant 2 : i32
      %ge3A_133 = arith.cmpi sge, %add3A_125, %ge3A_132 : i32
      %convert_element_type3A_134 = arith.extui %ge3A_133 : i1 to i32
      %cond3A_135 = arith.constant 0 : i32
      %cond3A_136 = arith.cmpi ne, %convert_element_type3A_134, %cond3A_135 : i32
      scf.if %cond3A_136 {
        %dma_wait3A_162 = arith.constant 0 : i32
        %dma_wait3A_163 = arith.constant 0 : i32
        %dma_wait3A_164 = tpu.memref_slice %arg6[%arg0, %dma_wait3A_162, %dma_wait3A_163] : memref<2x10240x16xf32, #tpu.memory_space<hbm>> -> memref<1x125x16xf32, #tpu.memory_space<hbm>>
        %dma_wait3A_165 = tpu.memref_squeeze %dma_wait3A_164 : memref<1x125x16xf32, #tpu.memory_space<hbm>> -> memref<125x16xf32, #tpu.memory_space<hbm>>
        %dma_wait3A_166 = arith.constant 0 : i32
        %dma_wait3A_167 = arith.constant 0 : i32
        %dma_wait3A_168 = tpu.memref_slice %arg6[%arg0, %dma_wait3A_166, %dma_wait3A_167] : memref<2x10240x16xf32, #tpu.memory_space<hbm>> -> memref<1x125x16xf32, #tpu.memory_space<hbm>>
        %dma_wait3A_169 = tpu.memref_squeeze %dma_wait3A_168 : memref<1x125x16xf32, #tpu.memory_space<hbm>> -> memref<125x16xf32, #tpu.memory_space<hbm>>
        tpu.wait_dma2 semaphore(%arg20 : memref<!tpu.dma_semaphore, #tpu.memory_space<semaphore_mem>>) src(%dma_wait3A_169 : memref<125x16xf32, #tpu.memory_space<hbm>>) dst(%arg11 : memref<125x16xf32, #tpu.memory_space<vmem>>)
      } else {
      }
      %dma_start3A_137 = arith.constant 0 : i32
      %dma_start3A_138 = tpu.memref_slice %arg8[%add3A_125, %dma_start3A_137] : memref<80x125xi32, #tpu.memory_space<vmem>> -> memref<1x125xi32, #tpu.memory_space<vmem>>
      %dma_start3A_139 = tpu.memref_squeeze %dma_start3A_138 : memref<1x125xi32, #tpu.memory_space<vmem>> -> memref<125xi32, #tpu.memory_space<vmem>>
      %dma_start3A_140 = arith.constant 0 : i32
      %dma_start3A_141 = arith.constant 0 : i32
      %dma_start3A_142 = tpu.memref_slice %arg13[%dma_start3A_140, %dma_start3A_141] : memref<10240x128xbf16, #tpu.memory_space<vmem_shared>> -> memref<10240x128xbf16, #tpu.memory_space<vmem_shared>>
      tpu.enqueue_indirect_dma source(%arg10 : memref<125x128xbf16, #tpu.memory_space<vmem>>) target(%dma_start3A_142 : memref<10240x128xbf16, #tpu.memory_space<vmem_shared>>) offsets(%dma_start3A_139 : memref<125xi32, #tpu.memory_space<vmem>>) semaphore(%arg18 : memref<!tpu.dma_semaphore, #tpu.memory_space<semaphore_mem>>) {add = true}
      %dma_start3A_143 = arith.constant 0 : i32
      %dma_start3A_144 = tpu.memref_slice %arg8[%add3A_125, %dma_start3A_143] : memref<80x125xi32, #tpu.memory_space<vmem>> -> memref<1x125xi32, #tpu.memory_space<vmem>>
      %dma_start3A_145 = tpu.memref_squeeze %dma_start3A_144 : memref<1x125xi32, #tpu.memory_space<vmem>> -> memref<125xi32, #tpu.memory_space<vmem>>
      %dma_start3A_146 = arith.constant 0 : i32
      %dma_start3A_147 = arith.constant 0 : i32
      %dma_start3A_148 = tpu.memref_slice %arg14[%dma_start3A_146, %dma_start3A_147] : memref<10240x16xf32, #tpu.memory_space<vmem_shared>> -> memref<10240x16xf32, #tpu.memory_space<vmem_shared>>
      tpu.enqueue_indirect_dma source(%arg11 : memref<125x16xf32, #tpu.memory_space<vmem>>) target(%dma_start3A_148 : memref<10240x16xf32, #tpu.memory_space<vmem_shared>>) offsets(%dma_start3A_145 : memref<125xi32, #tpu.memory_space<vmem>>) semaphore(%arg20 : memref<!tpu.dma_semaphore, #tpu.memory_space<semaphore_mem>>) {add = true}
      %dma_wait3A_149 = arith.constant 0 : i32
      %dma_wait3A_150 = arith.constant 0 : i32
      %dma_wait3A_151 = tpu.memref_slice %arg2[%dma_wait3A_149, %dma_wait3A_150] : memref<10000x128xbf16, #tpu.memory_space<hbm>> -> memref<125x128xbf16, #tpu.memory_space<hbm>>
      %dma_wait3A_152 = arith.constant 0 : i32
      %dma_wait3A_153 = arith.constant 0 : i32
      %dma_wait3A_154 = tpu.memref_slice %arg2[%dma_wait3A_152, %dma_wait3A_153] : memref<10000x128xbf16, #tpu.memory_space<hbm>> -> memref<125x128xbf16, #tpu.memory_space<hbm>>
      tpu.wait_dma2 semaphore(%arg18 : memref<!tpu.dma_semaphore, #tpu.memory_space<semaphore_mem>>) src(%dma_wait3A_154 : memref<125x128xbf16, #tpu.memory_space<hbm>>) dst(%arg10 : memref<125x128xbf16, #tpu.memory_space<vmem>>)
      %add3A_155 = arith.constant 2 : i32
      %add3A_156 = arith.addi %add3A_125, %add3A_155 : i32
      %lt3A_157 = arith.constant 80 : i32
      %lt3A_158 = arith.cmpi slt, %add3A_156, %lt3A_157 : i32
      %convert_element_type3A_159 = arith.extui %lt3A_158 : i1 to i32
      %cond3A_160 = arith.constant 0 : i32
      %cond3A_161 = arith.cmpi ne, %convert_element_type3A_159, %cond3A_160 : i32
      scf.if %cond3A_161 {
        %add3A_162 = arith.constant 2 : i32
        %add3A_163 = arith.addi %add3A_125, %add3A_162 : i32
        %dma_start3A_164 = arith.constant 0 : i32
        %dma_start3A_165 = tpu.memref_slice %arg7[%add3A_163, %dma_start3A_164] : memref<80x125xi32, #tpu.memory_space<vmem>> -> memref<1x125xi32, #tpu.memory_space<vmem>>
        %dma_start3A_166 = tpu.memref_squeeze %dma_start3A_165 : memref<1x125xi32, #tpu.memory_space<vmem>> -> memref<125xi32, #tpu.memory_space<vmem>>
        %dma_start3A_167 = arith.constant 0 : i32
        %dma_start3A_168 = arith.constant 0 : i32
        %dma_start3A_169 = tpu.memref_slice %arg12[%dma_start3A_167, %dma_start3A_168] : memref<10240x128xbf16, #tpu.memory_space<vmem_shared>> -> memref<10240x128xbf16, #tpu.memory_space<vmem_shared>>
        tpu.enqueue_indirect_dma source(%dma_start3A_169 : memref<10240x128xbf16, #tpu.memory_space<vmem_shared>>) target(%arg10 : memref<125x128xbf16, #tpu.memory_space<vmem>>) offsets(%dma_start3A_166 : memref<125xi32, #tpu.memory_space<vmem>>) semaphore(%arg16 : memref<!tpu.dma_semaphore, #tpu.memory_space<semaphore_mem>>)
      } else {
      }
    }
    %scan3A_65 = arith.constant 40 : i32
    %dma_wait3A = arith.constant 0 : i32
    %dma_wait3A_66 = arith.constant 0 : i32
    %dma_wait3A_67 = tpu.memref_slice %arg6[%arg0, %dma_wait3A, %dma_wait3A_66] : memref<2x10240x16xf32, #tpu.memory_space<hbm>> -> memref<1x125x16xf32, #tpu.memory_space<hbm>>
    %dma_wait3A_68 = tpu.memref_squeeze %dma_wait3A_67 : memref<1x125x16xf32, #tpu.memory_space<hbm>> -> memref<125x16xf32, #tpu.memory_space<hbm>>
    %dma_wait3A_69 = arith.constant 0 : i32
    %dma_wait3A_70 = arith.constant 0 : i32
    %dma_wait3A_71 = tpu.memref_slice %arg6[%arg0, %dma_wait3A_69, %dma_wait3A_70] : memref<2x10240x16xf32, #tpu.memory_space<hbm>> -> memref<1x125x16xf32, #tpu.memory_space<hbm>>
    %dma_wait3A_72 = tpu.memref_squeeze %dma_wait3A_71 : memref<1x125x16xf32, #tpu.memory_space<hbm>> -> memref<125x16xf32, #tpu.memory_space<hbm>>
    tpu.wait_dma2 semaphore(%arg19 : memref<!tpu.dma_semaphore, #tpu.memory_space<semaphore_mem>>) src(%dma_wait3A_72 : memref<125x16xf32, #tpu.memory_space<hbm>>) dst(%arg11 : memref<125x16xf32, #tpu.memory_space<vmem>>)
    %dma_wait3A_73 = arith.constant 0 : i32
    %dma_wait3A_74 = arith.constant 0 : i32
    %dma_wait3A_75 = tpu.memref_slice %arg6[%arg0, %dma_wait3A_73, %dma_wait3A_74] : memref<2x10240x16xf32, #tpu.memory_space<hbm>> -> memref<1x125x16xf32, #tpu.memory_space<hbm>>
    %dma_wait3A_76 = tpu.memref_squeeze %dma_wait3A_75 : memref<1x125x16xf32, #tpu.memory_space<hbm>> -> memref<125x16xf32, #tpu.memory_space<hbm>>
    %dma_wait3A_77 = arith.constant 0 : i32
    %dma_wait3A_78 = arith.constant 0 : i32
    %dma_wait3A_79 = tpu.memref_slice %arg6[%arg0, %dma_wait3A_77, %dma_wait3A_78] : memref<2x10240x16xf32, #tpu.memory_space<hbm>> -> memref<1x125x16xf32, #tpu.memory_space<hbm>>
    %dma_wait3A_80 = tpu.memref_squeeze %dma_wait3A_79 : memref<1x125x16xf32, #tpu.memory_space<hbm>> -> memref<125x16xf32, #tpu.memory_space<hbm>>
    tpu.wait_dma2 semaphore(%arg20 : memref<!tpu.dma_semaphore, #tpu.memory_space<semaphore_mem>>) src(%dma_wait3A_80 : memref<125x16xf32, #tpu.memory_space<hbm>>) dst(%arg11 : memref<125x16xf32, #tpu.memory_space<vmem>>)
    %barrier3A_81 = arith.constant 0 : index
    tpu.barrier barrier_id(%barrier3A_81)
    "tpu.region"() ({
      %run_scoped3A = tpu.sem_alloc : memref<!tpu.dma_semaphore, #tpu.memory_space<semaphore_mem>>
      %dma_start3A_82 = arith.constant 0 : i32
      %dma_start3A_83 = tpu.memref_slice %arg5[%arg0, %mul3A_2, %dma_start3A_82] : memref<2x10240x128xbf16, #tpu.memory_space<hbm>> -> memref<1x640x128xbf16, #tpu.memory_space<hbm>>
      %dma_start3A_84 = tpu.memref_squeeze %dma_start3A_83 : memref<1x640x128xbf16, #tpu.memory_space<hbm>> -> memref<640x128xbf16, #tpu.memory_space<hbm>>
      %dma_start3A_85 = arith.constant 0 : i32
      %dma_start3A_86 = tpu.memref_slice %arg13[%mul3A_2, %dma_start3A_85] : memref<10240x128xbf16, #tpu.memory_space<vmem_shared>> -> memref<640x128xbf16, #tpu.memory_space<vmem_shared>>
      tpu.enqueue_dma source(%dma_start3A_86 : memref<640x128xbf16, #tpu.memory_space<vmem_shared>>) target(%dma_start3A_84 : memref<640x128xbf16, #tpu.memory_space<hbm>>) target_semaphore(%run_scoped3A : memref<!tpu.dma_semaphore, #tpu.memory_space<semaphore_mem>>)
      %dma_wait3A_87 = arith.constant 0 : i32
      %dma_wait3A_88 = tpu.memref_slice %arg5[%arg0, %mul3A_2, %dma_wait3A_87] : memref<2x10240x128xbf16, #tpu.memory_space<hbm>> -> memref<1x640x128xbf16, #tpu.memory_space<hbm>>
      %dma_wait3A_89 = tpu.memref_squeeze %dma_wait3A_88 : memref<1x640x128xbf16, #tpu.memory_space<hbm>> -> memref<640x128xbf16, #tpu.memory_space<hbm>>
      %dma_wait3A_90 = arith.constant 0 : i32
      %dma_wait3A_91 = tpu.memref_slice %arg13[%mul3A_2, %dma_wait3A_90] : memref<10240x128xbf16, #tpu.memory_space<vmem_shared>> -> memref<640x128xbf16, #tpu.memory_space<vmem_shared>>
      tpu.wait_dma2 semaphore(%run_scoped3A : memref<!tpu.dma_semaphore, #tpu.memory_space<semaphore_mem>>) src(%dma_wait3A_91 : memref<640x128xbf16, #tpu.memory_space<vmem_shared>>) dst(%dma_wait3A_89 : memref<640x128xbf16, #tpu.memory_space<hbm>>)
      tpu.yield
    }) : () -> ()
    "tpu.region"() ({
      %run_scoped3A = tpu.sem_alloc : memref<!tpu.dma_semaphore, #tpu.memory_space<semaphore_mem>>
      %dma_start3A_82 = arith.constant 0 : i32
      %dma_start3A_83 = tpu.memref_slice %arg6[%arg0, %mul3A_2, %dma_start3A_82] : memref<2x10240x16xf32, #tpu.memory_space<hbm>> -> memref<1x640x16xf32, #tpu.memory_space<hbm>>
      %dma_start3A_84 = tpu.memref_squeeze %dma_start3A_83 : memref<1x640x16xf32, #tpu.memory_space<hbm>> -> memref<640x16xf32, #tpu.memory_space<hbm>>
      %dma_start3A_85 = arith.constant 0 : i32
      %dma_start3A_86 = tpu.memref_slice %arg14[%mul3A_2, %dma_start3A_85] : memref<10240x16xf32, #tpu.memory_space<vmem_shared>> -> memref<640x16xf32, #tpu.memory_space<vmem_shared>>
      tpu.enqueue_dma source(%dma_start3A_86 : memref<640x16xf32, #tpu.memory_space<vmem_shared>>) target(%dma_start3A_84 : memref<640x16xf32, #tpu.memory_space<hbm>>) target_semaphore(%run_scoped3A : memref<!tpu.dma_semaphore, #tpu.memory_space<semaphore_mem>>)
      %dma_wait3A_87 = arith.constant 0 : i32
      %dma_wait3A_88 = tpu.memref_slice %arg6[%arg0, %mul3A_2, %dma_wait3A_87] : memref<2x10240x16xf32, #tpu.memory_space<hbm>> -> memref<1x640x16xf32, #tpu.memory_space<hbm>>
      %dma_wait3A_89 = tpu.memref_squeeze %dma_wait3A_88 : memref<1x640x16xf32, #tpu.memory_space<hbm>> -> memref<640x16xf32, #tpu.memory_space<hbm>>
      %dma_wait3A_90 = arith.constant 0 : i32
      %dma_wait3A_91 = tpu.memref_slice %arg14[%mul3A_2, %dma_wait3A_90] : memref<10240x16xf32, #tpu.memory_space<vmem_shared>> -> memref<640x16xf32, #tpu.memory_space<vmem_shared>>
      tpu.wait_dma2 semaphore(%run_scoped3A : memref<!tpu.dma_semaphore, #tpu.memory_space<semaphore_mem>>) src(%dma_wait3A_91 : memref<640x16xf32, #tpu.memory_space<vmem_shared>>) dst(%dma_wait3A_89 : memref<640x16xf32, #tpu.memory_space<hbm>>)
      tpu.yield
    }) : () -> ()
    return
  }
}

module attributes {stable_mosaic.version = 14 : i64} {
  func.func @_post_body(%arg0: i32, %arg1: memref<2x1000x128xbf16, #tpu.memory_space<vmem>>, %arg2: memref<2x1000x16xf32, #tpu.memory_space<vmem>>, %arg3: memref<1000x128xf32, #tpu.memory_space<vmem>>, %arg4: memref<128x128xf32, #tpu.memory_space<vmem>>, %arg5: memref<128x128xf32, #tpu.memory_space<vmem>>, %arg6: memref<1x128xf32, #tpu.memory_space<vmem>>, %arg7: memref<1000x128xf32, #tpu.memory_space<vmem>>) attributes {dimension_semantics = [#tpu.dimension_semantics<arbitrary>], iteration_bounds = array<i64: 10>, scalar_prefetch = 0 : i64, scratch_operands = 0 : i64, tpu.core_type = #tpu.core_type<tc>, window_params = [{transform_indices = @transform_0, window_bounds = array<i64: 2, 1000, 128>}, {transform_indices = @transform_1, window_bounds = array<i64: 2, 1000, 16>}, {transform_indices = @transform_2, window_bounds = array<i64: 1000, 128>}, {transform_indices = @transform_3, window_bounds = array<i64: 128, 128>}, {transform_indices = @transform_4, window_bounds = array<i64: 128, 128>}, {pipeline_mode = #tpu.pipeline_mode<synchronous>, transform_indices = @transform_5, window_bounds = array<i64: 1, 128>}, {transform_indices = @transform_6, window_bounds = array<i64: 1000, 128>}]} {
    %get3A = arith.constant 0 : index
    %get3A_0 = arith.constant 0 : index
    %get3A_1 = arith.constant 0 : index
    %get3A_2 = vector.load %arg1[%get3A, %get3A_0, %get3A_1] : memref<2x1000x128xbf16, #tpu.memory_space<vmem>>, vector<1x1000x128xbf16>
    %get3A_3 = vector.shape_cast %get3A_2 : vector<1x1000x128xbf16> to vector<1000x128xbf16>
    %convert_element_type3A = arith.extf %get3A_3 : vector<1000x128xbf16> to vector<1000x128xf32>
    %get3A_4 = arith.constant 1 : index
    %get3A_5 = arith.constant 0 : index
    %get3A_6 = arith.constant 0 : index
    %get3A_7 = vector.load %arg1[%get3A_4, %get3A_5, %get3A_6] : memref<2x1000x128xbf16, #tpu.memory_space<vmem>>, vector<1x1000x128xbf16>
    %get3A_8 = vector.shape_cast %get3A_7 : vector<1x1000x128xbf16> to vector<1000x128xbf16>
    %convert_element_type3A_9 = arith.extf %get3A_8 : vector<1000x128xbf16> to vector<1000x128xf32>
    %add3A = arith.addf %convert_element_type3A, %convert_element_type3A_9 : vector<1000x128xf32>
    %get3A_10 = arith.constant 0 : index
    %get3A_11 = arith.constant 0 : index
    %get3A_12 = arith.constant 0 : index
    %get3A_13 = vector.load %arg2[%get3A_10, %get3A_11, %get3A_12] : memref<2x1000x16xf32, #tpu.memory_space<vmem>>, vector<1x1000x16xf32>
    %get3A_14 = vector.shape_cast %get3A_13 : vector<1x1000x16xf32> to vector<1000x16xf32>
    %get3A_15 = arith.constant 1 : index
    %get3A_16 = arith.constant 0 : index
    %get3A_17 = arith.constant 0 : index
    %get3A_18 = vector.load %arg2[%get3A_15, %get3A_16, %get3A_17] : memref<2x1000x16xf32, #tpu.memory_space<vmem>>, vector<1x1000x16xf32>
    %get3A_19 = vector.shape_cast %get3A_18 : vector<1x1000x16xf32> to vector<1000x16xf32>
    %add3A_20 = arith.addf %get3A_14, %get3A_19 : vector<1000x16xf32>
    %slice3A = vector.extract_strided_slice %add3A_20 {offsets = [0, 0], sizes = [1000, 1], strides = [1, 1]} : vector<1000x16xf32> to vector<1000x1xf32>
    %get3A_21 = arith.constant 0 : index
    %get3A_22 = arith.constant 0 : index
    %get3A_23 = vector.load %arg3[%get3A_21, %get3A_22] : memref<1000x128xf32, #tpu.memory_space<vmem>>, vector<1000x128xf32>
    %get3A_24 = arith.constant 0 : index
    %get3A_25 = arith.constant 0 : index
    %get3A_26 = vector.load %arg4[%get3A_24, %get3A_25] : memref<128x128xf32, #tpu.memory_space<vmem>>, vector<128x128xf32>
    %dot_general3A = arith.constant dense<0.000000e+00> : vector<1000x128xf32>
    %dot_general3A_27 = tpu.matmul %add3A, %get3A_26, %dot_general3A {dimension_numbers = #tpu.dot_dimension_numbers<[1], [1], [0], [0], [0, 0, 1, 0], [], []>, transpose_lhs_hint = false} : vector<1000x128xf32>, vector<128x128xf32>, vector<1000x128xf32> -> vector<1000x128xf32>
    %get3A_28 = arith.constant 0 : index
    %get3A_29 = arith.constant 0 : index
    %get3A_30 = vector.load %arg5[%get3A_28, %get3A_29] : memref<128x128xf32, #tpu.memory_space<vmem>>, vector<128x128xf32>
    %dot_general3A_31 = arith.constant dense<0.000000e+00> : vector<1000x128xf32>
    %dot_general3A_32 = tpu.matmul %get3A_23, %get3A_30, %dot_general3A_31 {dimension_numbers = #tpu.dot_dimension_numbers<[1], [1], [0], [0], [0, 0, 1, 0], [], []>, transpose_lhs_hint = false} : vector<1000x128xf32>, vector<128x128xf32>, vector<1000x128xf32> -> vector<1000x128xf32>
    %get3A_33 = arith.constant 0 : index
    %get3A_34 = arith.constant 0 : index
    %get3A_35 = vector.load %arg6[%get3A_33, %get3A_34] : memref<1x128xf32, #tpu.memory_space<vmem>>, vector<1x128xf32>
    %add3A_36 = vector.broadcast %get3A_35 : vector<1x128xf32> to vector<1000x128xf32>
    %add3A_37 = arith.addf %dot_general3A_32, %add3A_36 : vector<1000x128xf32>
    %add3A_38 = arith.addf %dot_general3A_27, %get3A_23 : vector<1000x128xf32>
    %mul3A = vector.broadcast %slice3A : vector<1000x1xf32> to vector<1000x128xf32>
    %mul3A_39 = arith.mulf %mul3A, %add3A_37 : vector<1000x128xf32>
    %add3A_40 = arith.addf %add3A_38, %mul3A_39 : vector<1000x128xf32>
    %swap3A = arith.constant 0 : index
    %swap3A_41 = arith.constant 0 : index
    %swap3A_42 = vector.load %arg7[%swap3A, %swap3A_41] : memref<1000x128xf32, #tpu.memory_space<vmem>>, vector<1000x128xf32>
    tpu.vector_store %arg7[%swap3A, %swap3A_41], %add3A_40 {strides = array<i32>} : memref<1000x128xf32, #tpu.memory_space<vmem>>, vector<1000x128xf32>,
    return
  }
  func.func @transform_0(%arg0: i32) -> (i32, i32, i32) {
    %c0_i32 = arith.constant 0 : i32
    %c0_i32_0 = arith.constant 0 : i32
    %c0_i32_1 = arith.constant 0 : i32
    return %c0_i32, %arg0, %c0_i32_0 : i32, i32, i32
  }
  func.func @transform_1(%arg0: i32) -> (i32, i32, i32) {
    %c0_i32 = arith.constant 0 : i32
    %c0_i32_0 = arith.constant 0 : i32
    %c0_i32_1 = arith.constant 0 : i32
    return %c0_i32, %arg0, %c0_i32_0 : i32, i32, i32
  }
  func.func @transform_2(%arg0: i32) -> (i32, i32) {
    %c0_i32 = arith.constant 0 : i32
    %c0_i32_0 = arith.constant 0 : i32
    return %arg0, %c0_i32 : i32, i32
  }
  func.func @transform_3(%arg0: i32) -> (i32, i32) {
    %c0_i32 = arith.constant 0 : i32
    %c0_i32_0 = arith.constant 0 : i32
    %c0_i32_1 = arith.constant 0 : i32
    return %c0_i32, %c0_i32_0 : i32, i32
  }
  func.func @transform_4(%arg0: i32) -> (i32, i32) {
    %c0_i32 = arith.constant 0 : i32
    %c1_i32 = arith.constant 1 : i32
    %c0_i32_0 = arith.constant 0 : i32
    return %c0_i32, %c1_i32 : i32, i32
  }
  func.func @transform_5(%arg0: i32) -> (i32, i32) {
    %c0_i32 = arith.constant 0 : i32
    %c0_i32_0 = arith.constant 0 : i32
    %c0_i32_1 = arith.constant 0 : i32
    return %c0_i32, %c0_i32_0 : i32, i32
  }
  func.func @transform_6(%arg0: i32) -> (i32, i32) {
    %c0_i32 = arith.constant 0 : i32
    %c0_i32_0 = arith.constant 0 : i32
    return %arg0, %c0_i32 : i32, i32
  }
}

</mosaic_0001>

<sc_bundles>
// kernel: kernel.4.cloned.1.call-start
scs
__scs_entry_jumppad:
0x0: {  	(pc) =	sbr.rel $0x88, $3  }
0x1: {  	(tag) =	ssettag $0x0;
	lr =	simm.s32 $0x1  }
0x2: {  	[smem:$0x3F9D] =	sst lr;
	_ =	strace $0xD0000000  }
0x3: {  	_ = 	snop  }
0x4: {  	_ = 	snop  }
0x5: {  	_ = 	snop  }
0x6: {  	_ = 	snop  }
0x7: {  	_ = 	snop  }
__scs_overlays_trampoline_lowered:
0x8: {  	[smem:$0x3FAC] =	sst s0  }
0x9: {  	[smem:$0x3FAD] =	sst s1  }
0xa: {  	[smem:$0x3FAE] =	sst s2  }
0xb: {  	[smem:$0x3FAF] =	sst s3  }
0xc: {  	[smem:$0x3FB0] =	sst s4  }
0xd: {  	[smem:$0x3FB1] =	sst s5  }
0xe: {  	[smem:$0x3FB2] =	sst s6  }
0xf: {  	[smem:$0x3FB3] =	sst s7  }
0x10: {  	[smem:$0x3FB4] =	sst s8  }
0x11: {  	[smem:$0x3FB5] =	sst s9;
	s0 =	simm.s32 @!p0 $0x0  }
0x12: {  	s1 =	sld [smem:$0x3F9B];
	s0 =	simm.s32 @p0 $0x1  }
0x13: {  	[smem:$0x3FB6] =	sst s0;
	s0 =	simm.s32 @!p1 $0x0  }
0x14: {  	s2 =	sld [smem:$0x3F9A];
	s0 =	simm.s32 @p1 $0x1  }
0x15: {  	[smem:$0x3FB7] =	sst s0;
	s0 =	simm.s32 @!p2 $0x0  }
0x16: {  	s3 =	sld [smem:$0x3FDB];
	s0 =	simm.s32 @p2 $0x1  }
0x17: {  	s4 =	simm.s32 $0x1BF5;
	[smem:$0x3FB9] =	sst s0  }
0x18: {  	s0 =	sld [smem:$0x3F9C];
	_ =	swait.ge [sflag:s4], $0x0  }
0x19: {  	s7 =	sld [smem:$0x3F9D]  }
0x1a: {  	s8 =	sadd.s32 $0xFFFFE003, lr  }
0x1b: {  	s9 =	sadd.s32 $0xFFFFFEF7, lr;
	s5 =	simm.s32 $0xFFFFFFFF;
	p2 =	slt.u32 s8, $0xFFFFF086  }
0x1c: {  	p1 =	slt.u32 s9, $0xF7A;
	s5 =	simm.s32 @!p2 $0x0  }
0x1d: {  	s5 =	simm.s32 @p1 $0x1;
	p0 =	seq.s32 s7, s2  }
0x1e: {  	s7 =	smul.u32 @!p0 $0xF7A, s2;
	p2 =	seq.s32 @!p0 s5, $0x0  }
0x1f: {  	s9 =	smul.u32 $0xF7A, s1;
	s8 =	simm.s32 @!p0 $0x1BF5;
	p2 =	por !p2, p0  }
0x20: {  	[sflag:s8] =	ssyncset.s32 @!p0 $0xFFFFF086;
	s6 =	sadd.s32 @!p0 s3, s7;
	s7 =	simm.s32 @!p0 $0x108  }
0x21: {  	s3 =	sadd.s32 s3, s9;
	s6 =	sadd.s32 @!p0 $0x88, s6;
	s7 =	simm.s32 @p2 $0x1082  }
0x22: {  	[simem:s7], [sflag:s8] =	dma.local @!p0 [hbm:s6], $0xF7A  }
0x23: {  	s9 =	sor.u32 $0xD0000000, s2;
	s6 =	simm.s32 $0x108;
	_ =	swait.ge @!p0 [sflag:s8], $0x0  }
0x24: {  	s3 =	sadd.s32 $0x88, s3;
	s6 =	simm.s32 @!p1 $0x1082;
	[sflag:s4] =	ssyncset.s32 $0xFFFFF086  }
0x25: {  	[simem:s6], [sflag:s4] =	dma.local [hbm:s3], $0xF7A  }
0x26: {  	[smem:$0x3F9D] =	sst s1;
	(tag) =	ssettag s2;
	_ =	strace s9  }
0x27: {  	s1 =	sld [smem:$0x3FAD]  }
0x28: {  	s2 =	sld [smem:$0x3FAE]  }
0x29: {  	s4 =	sld [smem:$0x3FB0]  }
0x2a: {  	p0 =	seq.s32 s5, $0x0;
	s5 =	sld [smem:$0x3FB1]  }
0x2b: {  	s6 =	sld [smem:$0x3FB2]  }
0x2c: {  	s7 =	sld [smem:$0x3FB3]  }
0x2d: {  	s3 =	simm.s32 $0x108;
	s8 =	sld [smem:$0x3FB4]  }
0x2e: {  	s3 =	simm.s32 @!p0 $0x1082;
	s9 =	sld [smem:$0x3FB5]  }
0x2f: {  	lr =	sadd.s32 s0, s3;
	s0 =	sld [smem:$0x3FAC]  }
0x30: {  	s3 =	sld [smem:$0x3FAF]  }
0x31: {  	[smem:$0x3FB8] =	sst s10  }
0x32: {  	s10 =	sld [smem:$0x3FB6];
	_ =	sdelay $0x3  }
0x33: {  	p0 =	seq.s32 s10, $0x1;
	s10 =	sld [smem:$0x3FB8];
	_ =	sdelay $0x3  }
0x34: {  	[smem:$0x3FB8] =	sst s10  }
0x35: {  	s10 =	sld [smem:$0x3FB7];
	_ =	sdelay $0x3  }
0x36: {  	p1 =	seq.s32 s10, $0x1;
	s10 =	sld [smem:$0x3FB8];
	_ =	sdelay $0x3  }
0x37: {  	[smem:$0x3FB8] =	sst s10  }
0x38: {  	s10 =	sld [smem:$0x3FB9]  }
0x39: {  	_ = 	snop;
	(pc) =	sbr.ind lr, $3  }
0x3a: {  	_ = 	snop  }
0x3b: {  	_ = 	snop  }
0x3c: {  	p2 =	seq.s32 s10, $0x1;
	s10 =	sld [smem:$0x3FB8]  }
0x3d: {  	_ =	shalt  }
0x3e: {  	_ =	shalt  }
0x3f: {  	_ =	shalt  }
0x40: {  	_ =	shalt  }
0x41: {  	_ =	shalt  }
0x42: {  	_ =	shalt  }
0x43: {  	_ =	shalt  }
0x44: {  	_ =	shalt  }
0x45: {  	_ =	shalt  }
0x46: {  	_ =	shalt  }
0x47: {  	_ =	shalt  }
0x48: {  	_ =	shalt  }
0x49: {  	_ =	shalt  }
0x4a: {  	_ =	shalt  }
0x4b: {  	_ =	shalt  }
0x4c: {  	_ =	shalt  }
0x4d: {  	_ =	shalt  }
0x4e: {  	_ =	shalt  }
0x4f: {  	_ =	shalt  }
0x50: {  	_ =	shalt  }
0x51: {  	_ =	shalt  }
0x52: {  	_ =	shalt  }
0x53: {  	_ =	shalt  }
0x54: {  	_ =	shalt  }
0x55: {  	_ =	shalt  }
0x56: {  	_ =	shalt  }
0x57: {  	_ =	shalt  }
0x58: {  	_ =	shalt  }
0x59: {  	_ =	shalt  }
0x5a: {  	_ =	shalt  }
0x5b: {  	_ =	shalt  }
0x5c: {  	_ =	shalt  }
0x5d: {  	_ =	shalt  }
0x5e: {  	_ =	shalt  }
0x5f: {  	_ =	shalt  }
0x60: {  	_ =	shalt  }
0x61: {  	_ =	shalt  }
0x62: {  	_ =	shalt  }
0x63: {  	_ =	shalt  }
0x64: {  	_ =	shalt  }
0x65: {  	_ =	shalt  }
0x66: {  	_ =	shalt  }
0x67: {  	_ =	shalt  }
0x68: {  	_ =	shalt  }
0x69: {  	_ =	shalt  }
0x6a: {  	_ =	shalt  }
0x6b: {  	_ =	shalt  }
0x6c: {  	_ =	shalt  }
0x6d: {  	_ =	shalt  }
0x6e: {  	_ =	shalt  }
0x6f: {  	_ =	shalt  }
0x70: {  	_ =	shalt  }
0x71: {  	_ =	shalt  }
0x72: {  	_ =	shalt  }
0x73: {  	_ =	shalt  }
0x74: {  	_ =	shalt  }
0x75: {  	_ =	shalt  }
0x76: {  	_ =	shalt  }
0x77: {  	_ =	shalt  }
0x78: {  	_ =	shalt  }
0x79: {  	_ =	shalt  }
0x7a: {  	_ =	shalt  }
0x7b: {  	_ =	shalt  }
0x7c: {  	_ =	shalt  }
0x7d: {  	_ =	shalt  }
0x7e: {  	_ =	shalt  }
0x7f: {  	_ =	shalt  }
0x80: {  	_ =	shalt  }
0x81: {  	_ =	shalt  }
0x82: {  	_ =	shalt  }
0x83: {  	_ =	shalt  }
0x84: {  	_ =	shalt  }
0x85: {  	_ =	shalt  }
0x86: {  	_ =	shalt  }
0x87: {  	_ =	shalt  }
.Lfunc_end0:
.L_simem_size_0:
called_computation_lowered:
.L_overlay_start_0:
0x88: {  	s2 =	sld [smem:$0x3FD9]  }
0x89: {  	s3 =	sld [smem:$0x3FFE];
	_ =	sdelay $0x1  }
0x8a: {  	s1 =	srdreg.scid  }
0x8b: {  	s0 =	sand.u32 $0x1, s1  }
0x8c: {  	s17 =	sshll.u32 s0, $0xA;
	s2 =	sadd.s32 s3, s2  }
0x8d: {  	s2 =	sadd.s32 s2, s17  }
0x8e: {  	[smem:$0x3FC4] =	sst s2  }
0x8f: {  	_ = 	snop  }
0x90: {  	s2 =	sld [smem:$0x3FD0];
	(tm) =	ssettm $0x1  }
0x91: {  	s18 =	sld [smem:$0x3FFB];
	_ =	sdelay $0x3  }
0x92: {  	_ =	strace s18  }
0x93: {  	s3 =	sld [smem:$0x3FFC];
	_ =	sdelay $0x3  }
0x94: {  	_ =	strace s3  }
0x95: {  	s3 =	sld [smem:$0x3FFD];
	_ =	sdelay $0x3  }
0x96: {  	_ =	strace s3  }
0x97: {  	_ =	strace $0x8FFFFFFF  }
0x98: {  	s19 =	sld [smem:$0x3FDB];
	_ =	sdelay $0x1  }
0x99: {  	s4 =	simm.s32 $_scs_section_size  }
0x9a: {  	s5 =	simm.s32 $_size__tile_overlayer_lowered;
	s6 =	simm.s32 $_tile_overlayer_lowered  }
0x9b: {  	s22 =	simm.s32 $0x1BFF;
	s21 =	sshll.u32 s6, $0x1;
	s3 =	sadd.s32 s4, s19  }
0x9c: {  	s7 =	simm.s32 $0x0;
	s20 =	sshll.u32 s5, $0x1;
	s5 =	sadd.s32 s21, s3  }
0x9d: {  	[timem:s7], [sflag:s22] =	dma.local [hbm:s5], s20  }
0x9e: {  	_ =	swait.ge [sflag:s22], s20  }
0x9f: {  	s4 =	ssub.s32 $0x0, s20;
	[sflag:s22] =	ssyncset.done $0x0  }
0xa0: {  	[sflag:s22] =	ssyncadd.s32 s4;
	_ =	sdelay $0x1  }
0xa1: {  	s23 =	simm.s32 $0x1B8B  }
0xa2: {  	_ =	swait.ge [sflag:s23], $0x1  }
0xa3: {  	[sflag:s23] =	ssyncset.done $0x0  }
0xa4: {  	s25 =	simm.s32 $0x1B8E;
	s24 =	sld [smem:$0x3FFE];
	[sflag:s23] =	ssyncadd.s32 $0xFFFFFFFF  }
0xa5: {  	s26 =	simm.s32 $execute0_lowered;
	[smem:$0x3FD2] =	sst s25  }
0xa6: {  	s5 =	sshll.u32 s26, $0x1;
	_ =	strace $0x80000046;
	[dreg:$0x1] =	wrdreg $0xFFFFFFFF  }
0xa7: {  	s28 =	simm.s32 $_size_execute0_lowered;
	s3 =	sadd.s32 s3, s5;
	[dreg:$0x0] =	wrdreg $0x0  }
0xa8: {  	s5 =	sshll.u32 s28, $0x1;
	[dreg:$0x2] =	wrdreg s3  }
0xa9: {  	[dreg:$0x3] =	wrdreg s5  }
0xaa: {  	[dreg:$0x4] =	wrdreg $0xC0  }
0xab: {  	_ =	task [dreg:s7], $0x5FFFF  }
0xac: {  	[dreg:$0x1] =	wrdreg $0xFFFFFFFF  }
0xad: {  	[dreg:$0x0] =	wrdreg $0x60  }
0xae: {  	[dreg:$0x2] =	wrdreg s2  }
0xaf: {  	[dreg:$0x3] =	wrdreg s24  }
0xb0: {  	[dreg:$0x4] =	wrdreg $0x96500  }
0xb1: {  	[dreg:$0x5] =	wrdreg $0x136500  }
0xb2: {  	[dreg:$0x6] =	wrdreg $0x1D6500  }
0xb3: {  	[dreg:$0x7] =	wrdreg $0x9  }
0xb4: {  	_ =	task.clear_ibuf [dreg:s7], $0x8FFFF;
	_ =	strace $0x90000046  }
0xb5: {  	s29 =	simm.s32 $0x9;
	_ =	strace $0x80000048  }
0xb6: {  	_ =	swait.ge [sflag:s29], $0x1  }
0xb7: {  	[sflag:s29] =	ssyncadd.s32 $0xFFFFFFFF  }
0xb8: {  	_ =	strace $0x90000048  }
0xb9: {  	_ =	sfence  }
0xba: {  	s30 =	sld [smem:$0x0];
	_ =	sdelay $0x2  }
0xbb: {  	s31 =	sshll.u32 s1, $0xD;
	s1 =	sshrl.u32 s1, $0x2  }
0xbc: {  	s3 =	sand.u32 $0x4000, s31;
	s1 =	sadd.s32 s1, s30  }
0xbd: {  	s0 =	sor.u32 s3, s0;
	s1 =	sshll.u32 s1, $0x11  }
0xbe: {  	s0 =	sor.u32 s1, s0  }
0xbf: {  	s0 =	sadd.s32 $0x8F2B, s0  }
0xc0: {  	[sflag:s0] =	ssyncadd.remote.s32 $0x1  }
0xc1: {  	_ =	sfence.sel $0xFFFF  }
0xc2: {  	[dreg:$0x0] =	wrdreg $0xFFFFFFFF;
	(pc) =	sbr.abs _section_cstart, $3  }
0xc3: {  	[dreg:$0x1] =	wrdreg $0xFFFFFFFF  }
0xc4: {  	_ =	task.clear_ibuf [dreg:s7], $0x2FFFF;
	_ =	strace $0x9FFFFFFF  }
0xc5: {  	(tm) =	ssettm $0x7FFFFFFF  }
tec
execute0_lowered:
.L_overlay_start_1:
0x0: {  	(tag) =	ssettag $0x1  }
0x1: {  	s0 =	srdreg.scid;
	s1 =	rddreg [dreg:$0x0]  }
0x2: {  	s22 =	stileid.u32;
	s6 =	rddreg [dreg:$0x1]  }
0x3: {  	s4 =	rddreg [dreg:$0x4];
	s5 =	simm.s32 $0x0;
	s8 =	smul.u32 $0x14000, s22  }
0x4: {  	s0 =	sand.u32 $0x1, s0;
	s2 =	sshll.u32 s22, $0x1;
	s11 =	smul.u32 $0x2800, s22  }
0x5: {  	[smem:$0x7FF] =	sst s5;
	p0 =	seq.s32 s22, $0xF;
	s9 =	smul.u32 $0x140000, s0  }
0x6: {  	s3 =	sor.u32 s0, s2;
	s2 =	rddreg [dreg:$0x2];
	s10 =	smul.u32 $0x28000, s0  }
0x7: {  	s0 =	ssub.s32 $0x2, s0;
	s7 =	smul.u32 $0x500, s3;
	s3 =	rddreg [dreg:$0x3]  }
0x8: {  	_ =	strace $0x80000047;
	s12 =	sshrl.u32 s0, $0x1;
	s21 =	sshrl.u32 s8, $0x1  }
0x9: {  	s9 =	sadd.s32 s8, s9;
	s10 =	sadd.s32 s11, s10;
	s0 =	ssub.s32 s0, s12  }
0xa: {  	s12 =	smul.u32 $0x280, s22;
	s8 =	sshrl.u32 s8, $0x4;
	s11 =	sadd.s32 s11, s4  }
0xb: {  	s7 =	sadd.s32 s7, s6;
	s9 =	sshrl.u32 s9, $0x4;
	s10 =	sshrl.u32 s10, $0x3  }
0xc: {  	s8 =	sadd.s32 s1, s8;
	s1 =	sadd.s32 $0x12C00, s1;
	s29 =	smax.u32 s0, $0x1  }
0xd: {  	s0 =	simm.s32 $0x2800;
	s9 =	sadd.s32 s9, s6;
	s6 =	sadd.s32 s10, s6  }
0xe: {  	s20 =	sadd.s32 $0xB000, s7;
	s7 =	sadd.s32 $0x1000, s7;
	[dreg:$0x8] =	wrdreg s8  }
0xf: {  	[dreg:$0x9] =	wrdreg s1;
	s23 =	sor.u32 $0x50, s12;
	s10 =	sadd.s32 s21, s3  }
0x10: {  	s25 =	sadd.s32 $0xA0, s12;
	s13 =	sadd.s32 $0xF0, s12;
	[dreg:$0x6] =	wrdreg s20  }
0x11: {  	s17 =	sadd.s32 $0x190, s12;
	s19 =	sadd.s32 $0x1E0, s12;
	[dreg:$0x7] =	wrdreg s7  }
0x12: {  	s7 =	sadd.s32 s21, s2;
	s24 =	sshll.u32 s23, $0x6;
	s1 =	sshll.u32 s23, $0x4  }
0x13: {  	s26 =	sshll.u32 s25, $0x6;
	s14 =	sshll.u32 s13, $0x6;
	s18 =	sshll.u32 s17, $0x6  }
0x14: {  	s20 =	sshll.u32 s17, $0x4;
	s21 =	sshll.u32 s19, $0x6;
	s28 =	sadd.s32 $0x3D000, s6  }
0x15: {  	s6 =	simm.s32 $0x5000;
	s17 =	simm.s32 $0x5;
	s8 =	sadd.s32 s24, s3  }
0x16: {  	s1 =	sadd.s32 s1, s4;
	s23 =	sadd.s32 s21, s3;
	s24 =	sadd.s32 $0x230, s12  }
0x17: {  	s31 =	sshrl.u32 @!p0 s7, $0x3;
	s7 =	simm.s32 $0x8E80;
	[dreg:$0xa] =	wrdreg s8  }
0x18: {  	[dreg:$0xb] =	wrdreg s1;
	s8 =	sshll.u32 s25, $0x4;
	s1 =	sadd.s32 s26, s3  }
0x19: {  	[dreg:$0x14] =	wrdreg s23;
	s25 =	sshll.u32 s19, $0x4;
	s19 =	simm.s32 $0x0  }
0x1a: {  	[dreg:$0xc] =	wrdreg s1;
	s8 =	sadd.s32 s8, s4;
	s1 =	sshll.u32 s13, $0x4  }
0x1b: {  	s13 =	sadd.s32 $0x140, s12;
	s12 =	sshll.u32 s24, $0x6;
	[dreg:$0xd] =	wrdreg s8  }
0x1c: {  	s8 =	sadd.s32 s14, s3;
	s1 =	sadd.s32 s1, s4;
	s15 =	sshll.u32 s13, $0x6  }
0x1d: {  	s16 =	sshll.u32 s13, $0x4;
	s26 =	sadd.s32 s12, s3;
	[dreg:$0xe] =	wrdreg s8  }
0x1e: {  	s12 =	simm.s32 $0x1;
	s13 =	simm.s32 $0x3;
	[dreg:$0xf] =	wrdreg s1  }
0x1f: {  	s14 =	simm.s32 $0x2;
	s1 =	sadd.s32 s15, s3;
	[dreg:$0x16] =	wrdreg s26  }
0x20: {  	s8 =	sadd.s32 s25, s4;
	s26 =	sadd.s32 $0x15000, s9;
	[dreg:$0x10] =	wrdreg s1  }
0x21: {  	s9 =	simm.s32 $0x6F40;
	s1 =	sadd.s32 s16, s4;
	[dreg:$0x15] =	wrdreg s8  }
.Ltmp0:
0x22: {  	[dreg:$0x11] =	wrdreg s1;
	s1 =	sadd.s32 s18, s3;
	(pc) =	sbr.rel .LBB2_1-.Ltmp0, $4  }
0x23: {  	s15 =	simm.s32 $0x2880;
	[dreg:$0x12] =	wrdreg s1;
	s1 =	sadd.s32 s20, s4  }
0x24: {  	s8 =	simm.s32 $0x7D;
	[dreg:$0x13] =	wrdreg s1;
	s1 =	sshll.u32 s24, $0x4  }
0x25: {  	s16 =	simm.s32 $0x4;
	s25 =	sadd.s32 s1, s4;
	s1 =	sadd.s32 $0x96000, s2  }
0x26: {  	v0 =	vimm.bf16 $0.0e+00;
	v1 =	vimm.f32 $0.0e+00;
	v2 =	vimm.f32 $1.000000000e+00;
	s18 =	simm.s32 $0x6;
	s30 =	sshrl.u32 @p0 s1, $0x3;
	s1 =	simm.s32 $0x7  }
.LBB2_10:
0x27: {  	_ =	swait.ge [sflag:s17], $0x7D0  }
0x28: {  	[sflag:s17] =	ssyncset.done $0x0  }
0x29: {  	[sflag:s17] =	ssyncadd.s32 $0xFFFFF830  }
0x2a: {  	_ =	swait.ge [sflag:s18], $0x7D0  }
0x2b: {  	s22 =	stileid.u32;
	[sflag:s18] =	ssyncset.done $0x0  }
0x2c: {  	s20 =	sshll.u32 s22, $0x6;
	[sflag:s18] =	ssyncadd.s32 $0xFFFFF830  }
0x2d: {  	s21 =	sshrl.u32 s10, $0x3;
	s20 =	sor.u32 $0x1C07, s20;
	[bflag:$0x0] =	sbarrier.arrive $0xFFFF  }
0x2e: {  	[hbm:s26], [sflag:s20] =	dma.local [spmem:s21], $0x1400  }
0x2f: {  	s19 =	sadd.s32 $0x1, s19;
	_ =	swait.ge [sflag:s1], $0x1400  }
0x30: {  	p1 =	sne.s32 s19, s29;
	[sflag:s1] =	ssyncset.done $0x0  }
.Ltmp1:
0x31: {  	s24 =	sshrl.u32 s11, $0x3;
	[sflag:s1] =	ssyncadd.s32 $0xFFFFEC00;
	(pc) =	sbr.rel @!p1 .LBB2_11-.Ltmp1, $4  }
0x32: {  	[hbm:s28], [sflag:s20] =	dma.local [spmem:s24], $0x500  }
0x33: {  	_ =	swait.ge [sflag:s1], $0x500  }
0x34: {  	[sflag:s1] =	ssyncset.done $0x0  }
0x35: {  	[sflag:s1] =	ssyncadd.s32 $0xFFFFFB00  }
.LBB2_1:
0x36: {  	s20 =	rddreg [dreg:$0x6]  }
0x37: {  	[tilespmem:s5], [sflag:$0x7] =	stream.linear.gather [hbm4b:s20+s5], $0x2800, $0x38;
	[tilespmem:$0x1FE50] =	vst v63  }
0x38: {  	_ =	swait.ge [sflag:s1], $0x2800  }
0x39: {  	[sflag:s1] =	ssyncset.done $0x0  }
0x3a: {  	s24 =	rddreg [dreg:$0x7];
	[sflag:s1] =	ssyncadd.s32 $0xFFFFD800  }
0x3b: {  	[tilespmem:s0], [sflag:$0x7] =	stream.linear.gather [hbm4b:s24+s5], $0x2800, $0x38;
	[tilespmem:$0x1FE50] =	vst v63  }
0x3c: {  	_ =	swait.ge [sflag:s1], $0x2800  }
0x3d: {  	[sflag:s1] =	ssyncset.done $0x0  }
0x3e: {  	s20 =	simm.s32 @p0 $0x1FC7;
	s21 =	rddreg [dreg:$0x9];
	[sflag:s1] =	ssyncadd.s32 $0xFFFFD800  }
0x3f: {  	[spmem:s30], [sflag:s20] =	dma.local @p0 [hbm:s21], $0xC80  }
0x40: {  	s20 =	simm.s32 @p0 $0x7  }
0x41: {  	_ =	swait.ge @p0 [sflag:s20], $0xC80  }
0x42: {  	s21 =	sshll.u32 @!p0 s22, $0x6;
	[sflag:s20] =	ssyncset.done @p0 $0x0  }
0x43: {  	[sflag:s20] =	ssyncadd.s32 @p0 $0xFFFFF380;
	s20 =	sor.u32 @!p0 $0x1C07, s21;
	s21 =	rddreg [dreg:$0x8]  }
0x44: {  	[spmem:s31], [sflag:s20] =	dma.local @!p0 [hbm:s21], $0x1400  }
0x45: {  	s20 =	simm.s32 @!p0 $0x7  }
0x46: {  	_ =	swait.ge @!p0 [sflag:s20], $0x1400  }
0x47: {  	[sflag:s20] =	ssyncset.done @!p0 $0x0  }
0x48: {  	[sflag:s20] =	ssyncadd.s32 @!p0 $0xFFFFEC00;
	s20 =	simm.s32 $0x0  }
.LBB2_2:
0x49: {  	p1 =	sne.s32 s20, $0x7C00  }
.Ltmp2:
0x4a: {  	s21 =	sshra.s32 s20, $0x2;
	(pc) =	sbr.rel @p1 .LBB2_2-.Ltmp2, $4  }
0x4b: {  	[tilespmem:s21+$0x5000] =	vst v0  }
0x4c: {  	[tilespmem:s21+$0x5010] =	vst v0  }
0x4d: {  	[tilespmem:s21+$0x5020] =	vst v0  }
0x4e: {  	s20 =	sadd.s32 $0x100, s20;
	[tilespmem:s21+$0x5030] =	vst v0  }
0x4f: {  	s20 =	simm.s32 $0x40;
	s21 =	simm.s32 $0x0  }
.LBB2_4:
0x50: {  	p1 =	sne.s32 s20, $0x1F00;
	[tilespmem:s21+$0x8E80] =	vst v1;
	s21 =	smov.u32 s20;
	s20 =	sadd.s32 $0x40, s20  }
.Ltmp3:
0x51: {  	(pc) =	sbr.rel @p1 .LBB2_4-.Ltmp3, $2  }
0x52: {  	_ =	sdelay $0x2  }
0x53: {  	s21 =	sshra.s32 s21, $0x2  }
0x54: {  	[tilespmem:s21+$0x8E80] =	vst v1  }
0x55: {  	[spmem:s10] =	stream.linear.scatter [tilespmem:s6], [sflag:$0x7], $0x1400, $0x38;
	[tilespmem:$0x1FE50] =	vst v63  }
0x56: {  	_ =	swait.ge [sflag:s1], $0x1400  }
0x57: {  	[sflag:s1] =	ssyncset.done $0x0  }
0x58: {  	[sflag:s1] =	ssyncadd.s32 $0xFFFFEC00  }
0x59: {  	[spmem:s11] =	stream.linear.scatter [tilespmem:s7], [sflag:$0x7], $0x500, $0x38;
	[tilespmem:$0x1FE50] =	vst v63  }
0x5a: {  	_ =	swait.ge [sflag:s1], $0x500  }
0x5b: {  	[sflag:s1] =	ssyncset.done $0x0  }
0x5c: {  	s20 =	rddreg [dreg:$0xa];
	[sflag:s1] =	ssyncadd.s32 $0xFFFFFB00  }
0x5d: {  	[spmem:s20] =	stream.linear.scatter [tilespmem:s6], [sflag:$0x7], $0x1400, $0x38;
	[tilespmem:$0x1FE50] =	vst v63  }
0x5e: {  	_ =	swait.ge [sflag:s1], $0x1400  }
0x5f: {  	[sflag:s1] =	ssyncset.done $0x0  }
0x60: {  	s21 =	rddreg [dreg:$0xb];
	[sflag:s1] =	ssyncadd.s32 $0xFFFFEC00  }
0x61: {  	[spmem:s21] =	stream.linear.scatter [tilespmem:s7], [sflag:$0x7], $0x500, $0x38;
	[tilespmem:$0x1FE50] =	vst v63  }
0x62: {  	_ =	swait.ge [sflag:s1], $0x500  }
0x63: {  	[sflag:s1] =	ssyncset.done $0x0  }
0x64: {  	s22 =	rddreg [dreg:$0xc];
	[sflag:s1] =	ssyncadd.s32 $0xFFFFFB00  }
0x65: {  	[spmem:s22] =	stream.linear.scatter [tilespmem:s6], [sflag:$0x7], $0x1400, $0x38;
	[tilespmem:$0x1FE50] =	vst v63  }
0x66: {  	_ =	swait.ge [sflag:s1], $0x1400  }
0x67: {  	[sflag:s1] =	ssyncset.done $0x0  }
0x68: {  	s23 =	rddreg [dreg:$0xd];
	[sflag:s1] =	ssyncadd.s32 $0xFFFFEC00  }
0x69: {  	[spmem:s23] =	stream.linear.scatter [tilespmem:s7], [sflag:$0x7], $0x500, $0x38;
	[tilespmem:$0x1FE50] =	vst v63  }
0x6a: {  	_ =	swait.ge [sflag:s1], $0x500  }
0x6b: {  	[sflag:s1] =	ssyncset.done $0x0  }
0x6c: {  	s24 =	rddreg [dreg:$0xe];
	[sflag:s1] =	ssyncadd.s32 $0xFFFFFB00  }
0x6d: {  	[spmem:s24] =	stream.linear.scatter [tilespmem:s6], [sflag:$0x7], $0x1400, $0x38;
	[tilespmem:$0x1FE50] =	vst v63  }
0x6e: {  	_ =	swait.ge [sflag:s1], $0x1400  }
0x6f: {  	[sflag:s1] =	ssyncset.done $0x0  }
0x70: {  	s21 =	rddreg [dreg:$0xf];
	[sflag:s1] =	ssyncadd.s32 $0xFFFFEC00  }
0x71: {  	[spmem:s21] =	stream.linear.scatter [tilespmem:s7], [sflag:$0x7], $0x500, $0x38;
	[tilespmem:$0x1FE50] =	vst v63  }
0x72: {  	_ =	swait.ge [sflag:s1], $0x500  }
0x73: {  	[sflag:s1] =	ssyncset.done $0x0  }
0x74: {  	s22 =	rddreg [dreg:$0x10];
	[sflag:s1] =	ssyncadd.s32 $0xFFFFFB00  }
0x75: {  	[spmem:s22] =	stream.linear.scatter [tilespmem:s6], [sflag:$0x7], $0x1400, $0x38;
	[tilespmem:$0x1FE50] =	vst v63  }
0x76: {  	_ =	swait.ge [sflag:s1], $0x1400  }
0x77: {  	[sflag:s1] =	ssyncset.done $0x0  }
0x78: {  	s23 =	rddreg [dreg:$0x11];
	[sflag:s1] =	ssyncadd.s32 $0xFFFFEC00  }
0x79: {  	[spmem:s23] =	stream.linear.scatter [tilespmem:s7], [sflag:$0x7], $0x500, $0x38;
	[tilespmem:$0x1FE50] =	vst v63  }
0x7a: {  	_ =	swait.ge [sflag:s1], $0x500  }
0x7b: {  	[sflag:s1] =	ssyncset.done $0x0  }
0x7c: {  	s24 =	rddreg [dreg:$0x12];
	[sflag:s1] =	ssyncadd.s32 $0xFFFFFB00  }
0x7d: {  	[spmem:s24] =	stream.linear.scatter [tilespmem:s6], [sflag:$0x7], $0x1400, $0x38;
	[tilespmem:$0x1FE50] =	vst v63  }
0x7e: {  	_ =	swait.ge [sflag:s1], $0x1400  }
0x7f: {  	[sflag:s1] =	ssyncset.done $0x0  }
0x80: {  	s21 =	rddreg [dreg:$0x13];
	[sflag:s1] =	ssyncadd.s32 $0xFFFFEC00  }
0x81: {  	[spmem:s21] =	stream.linear.scatter [tilespmem:s7], [sflag:$0x7], $0x500, $0x38;
	[tilespmem:$0x1FE50] =	vst v63  }
0x82: {  	_ =	swait.ge [sflag:s1], $0x500  }
0x83: {  	[sflag:s1] =	ssyncset.done $0x0  }
0x84: {  	s22 =	rddreg [dreg:$0x14];
	[sflag:s1] =	ssyncadd.s32 $0xFFFFFB00  }
0x85: {  	[spmem:s22] =	stream.linear.scatter [tilespmem:s6], [sflag:$0x7], $0x1400, $0x38;
	[tilespmem:$0x1FE50] =	vst v63  }
0x86: {  	_ =	swait.ge [sflag:s1], $0x1400  }
0x87: {  	[sflag:s1] =	ssyncset.done $0x0  }
0x88: {  	s23 =	rddreg [dreg:$0x15];
	[sflag:s1] =	ssyncadd.s32 $0xFFFFEC00  }
0x89: {  	[spmem:s23] =	stream.linear.scatter [tilespmem:s7], [sflag:$0x7], $0x500, $0x38;
	[tilespmem:$0x1FE50] =	vst v63  }
0x8a: {  	_ =	swait.ge [sflag:s1], $0x500  }
0x8b: {  	[sflag:s1] =	ssyncset.done $0x0  }
0x8c: {  	s24 =	rddreg [dreg:$0x16];
	[sflag:s1] =	ssyncadd.s32 $0xFFFFFB00  }
0x8d: {  	[spmem:s24] =	stream.linear.scatter [tilespmem:s6], [sflag:$0x7], $0x1400, $0x38;
	[tilespmem:$0x1FE50] =	vst v63  }
0x8e: {  	_ =	swait.ge [sflag:s1], $0x1400  }
0x8f: {  	[sflag:s1] =	ssyncset.done $0x0  }
0x90: {  	[sflag:s1] =	ssyncadd.s32 $0xFFFFEC00  }
0x91: {  	[spmem:s25] =	stream.linear.scatter [tilespmem:s7], [sflag:$0x7], $0x500, $0x38;
	[tilespmem:$0x1FE50] =	vst v63  }
0x92: {  	_ =	swait.ge [sflag:s1], $0x500  }
0x93: {  	[sflag:s1] =	ssyncset.done $0x0  }
0x94: {  	s20 =	simm.s32 $0x40;
	s21 =	simm.s32 $0x0;
	[sflag:s1] =	ssyncadd.s32 $0xFFFFFB00  }
.LBB2_6:
0x95: {  	p1 =	sne.s32 s20, $0x1F00;
	[tilespmem:s21+$0x8E80] =	vst v2;
	s21 =	smov.u32 s20;
	s20 =	sadd.s32 $0x40, s20  }
.Ltmp4:
0x96: {  	(pc) =	sbr.rel @p1 .LBB2_6-.Ltmp4, $2  }
0x97: {  	_ =	sdelay $0x2  }
0x98: {  	s21 =	sshra.s32 s21, $0x2  }
0x99: {  	[tilespmem:s21+$0x8E80] =	vst v2  }
0x9a: {  	[bflag:$0x0] =	sbarrier.arrive $0xFFFF  }
0x9b: {  	[tilespmem:s6], [sflag:$0x1] =	stream.indirect.gather [spmem:s2], $0x40, s5, s8, $0xb8;
	[tilespmem:$0x1FE50] =	vst v63  }
0x9c: {  	s20 =	simm.s32 $0x80  }
0x9d: {  	[tilespmem:s9], [sflag:$0x2] =	stream.indirect.gather [spmem:s2], $0x40, s20, s8, $0xb8;
	[tilespmem:$0x1FE50] =	vst v63  }
0x9e: {  	_ =	swait.ge [sflag:s12], $0x1F40  }
0x9f: {  	[sflag:s12] =	ssyncset.done $0x0  }
0xa0: {  	[sflag:s12] =	ssyncadd.s32 $0xFFFFE0C0  }
0xa1: {  	[spmem:s3] =	stream.indirect.scatter.add.bf16 [tilespmem:s6], [sflag:$0x3], $0x40, s0, s8, $0xb8;
	[tilespmem:$0x1FE50] =	vst v63  }
0xa2: {  	_ = 	snop  }
0xa3: {  	[spmem:s4] =	stream.indirect.scatter.add.f32 [tilespmem:s7], [sflag:$0x5], $0x10, s0, s8, $0xb8;
	[tilespmem:$0x1FE50] =	vst v63  }
0xa4: {  	_ =	swait.ge [sflag:s13], $0x1F40  }
0xa5: {  	[sflag:s13] =	ssyncset.done $0x0  }
0xa6: {  	s23 =	simm.s32 $0x100;
	[sflag:s13] =	ssyncadd.s32 $0xFFFFE0C0  }
0xa7: {  	[tilespmem:s6], [sflag:$0x1] =	stream.indirect.gather [spmem:s2], $0x40, s23, s8, $0xb8;
	[tilespmem:$0x1FE50] =	vst v63  }
0xa8: {  	_ =	swait.ge [sflag:s14], $0x1F40  }
0xa9: {  	[sflag:s14] =	ssyncset.done $0x0  }
0xaa: {  	[sflag:s14] =	ssyncadd.s32 $0xFFFFE0C0  }
0xab: {  	[spmem:s3] =	stream.indirect.scatter.add.bf16 [tilespmem:s9], [sflag:$0x4], $0x40, s15, s8, $0xb8;
	[tilespmem:$0x1FE50] =	vst v63  }
0xac: {  	_ = 	snop  }
0xad: {  	[spmem:s4] =	stream.indirect.scatter.add.f32 [tilespmem:s7], [sflag:$0x6], $0x10, s15, s8, $0xb8;
	[tilespmem:$0x1FE50] =	vst v63  }
0xae: {  	_ =	swait.ge [sflag:s16], $0x1F40  }
0xaf: {  	[sflag:s16] =	ssyncset.done $0x0  }
0xb0: {  	s24 =	simm.s32 $0x180;
	s20 =	simm.s32 $0xFFFF6800;
	[sflag:s16] =	ssyncadd.s32 $0xFFFFE0C0  }
0xb1: {  	[tilespmem:s9], [sflag:$0x2] =	stream.indirect.gather [spmem:s2], $0x40, s24, s8, $0xb8;
	[tilespmem:$0x1FE50] =	vst v63  }
.LBB2_8:
0xb2: {  	_ =	swait.ge [sflag:s12], $0x1F40  }
0xb3: {  	[sflag:s12] =	ssyncset.done $0x0  }
0xb4: {  	[sflag:s12] =	ssyncadd.s32 $0xFFFFE0C0  }
0xb5: {  	_ =	swait.ge [sflag:s17], $0x7D0  }
0xb6: {  	s21 =	sshra.s32 s20, $0x2;
	[sflag:s17] =	ssyncset.done $0x0  }
0xb7: {  	s22 =	sadd.s32 $0x4F00, s21;
	[sflag:s17] =	ssyncadd.s32 $0xFFFFF830  }
0xb8: {  	[spmem:s3] =	stream.indirect.scatter.add.bf16 [tilespmem:s6], [sflag:$0x3], $0x40, s22, s8, $0xb8;
	[tilespmem:$0x1FE50] =	vst v63  }
0xb9: {  	_ = 	snop  }
0xba: {  	[spmem:s4] =	stream.indirect.scatter.add.f32 [tilespmem:s7], [sflag:$0x5], $0x10, s22, s8, $0xb8;
	[tilespmem:$0x1FE50] =	vst v63  }
0xbb: {  	p1 =	seq.s32 s20, $0x0;
	_ =	swait.ge [sflag:s13], $0x1F40  }
0xbc: {  	s23 =	simm.s32 @!p1 $0x7D;
	s22 =	sshra.s32 @!p1 s20, $0x2;
	[sflag:s13] =	ssyncset.done $0x0  }
0xbd: {  	s24 =	simm.s32 @!p1 $0x5000;
	s22 =	sadd.s32 @!p1 $0x2800, s22;
	[sflag:s13] =	ssyncadd.s32 $0xFFFFE0C0  }
0xbe: {  	[tilespmem:s24], [sflag:$0x1] =	stream.indirect.gather @!p1 [spmem:s2], $0x40, s22, s23, $0xb8;
	[tilespmem:$0x1FE50] =	vst v63  }
0xbf: {  	_ =	swait.ge [sflag:s14], $0x1F40  }
0xc0: {  	[sflag:s14] =	ssyncset.done $0x0  }
0xc1: {  	[sflag:s14] =	ssyncadd.s32 $0xFFFFE0C0  }
0xc2: {  	_ =	swait.ge [sflag:s18], $0x7D0  }
0xc3: {  	[sflag:s18] =	ssyncset.done $0x0  }
0xc4: {  	s24 =	sadd.s32 $0x4F80, s21;
	[sflag:s18] =	ssyncadd.s32 $0xFFFFF830  }
0xc5: {  	[spmem:s3] =	stream.indirect.scatter.add.bf16 [tilespmem:s9], [sflag:$0x4], $0x40, s24, s8, $0xb8;
	[tilespmem:$0x1FE50] =	vst v63  }
.Ltmp5:
0xc6: {  	_ = 	snop;
	(pc) =	sbr.rel @p1 .LBB2_10-.Ltmp5, $4  }
0xc7: {  	[spmem:s4] =	stream.indirect.scatter.add.f32 [tilespmem:s7], [sflag:$0x6], $0x10, s24, s8, $0xb8;
	[tilespmem:$0x1FE50] =	vst v63  }
0xc8: {  	_ =	swait.ge [sflag:s16], $0x1F40  }
0xc9: {  	[sflag:s16] =	ssyncset.done $0x0  }
0xca: {  	[sflag:s16] =	ssyncadd.s32 $0xFFFFE0C0  }
.Ltmp6:
0xcb: {  	(pc) =	sbr.rel .LBB2_8-.Ltmp6, $3  }
0xcc: {  	_ =	sdelay $0x1  }
0xcd: {  	s21 =	sadd.s32 $0x2880, s21;
	s20 =	sadd.s32 $0x400, s20  }
0xce: {  	[tilespmem:s9], [sflag:$0x2] =	stream.indirect.gather [spmem:s2], $0x40, s21, s8, $0xb8;
	[tilespmem:$0x1FE50] =	vst v63  }
.LBB2_11:
0xcf: {  	_ =	sfence.sel $0x180000  }
0xd0: {  	[bflag:$0x0] =	sbarrier.arrive $0xFFFF  }
0xd1: {  	_ =	strace $0x90000047  }
0xd2: {  	[bflag:$0x2] =	sbarrier.arrive $0xFFFF  }
0xd3: {  	p0 =	sne.s32 s22, $0x0;
	s0 =	rddreg [dreg:$0x5]  }
0xd4: {  	s0 =	sadd.s32 @!p0 $0x100000, s0  }
0xd5: {  	[sflag:s0] =	ssyncadd.tile.s32 @!p0 $0x1;
	_ =	shalt  }
.Lfunc_end2:
_tile_overlayer_lowered:
.L_overlay_start_2:
0xd6: {  	(tag) =	ssettag $0x2  }
0xd7: {  	s0 =	rddreg [dreg:$0x0];
	s2 =	stileid.u32  }
0xd8: {  	s1 =	rddreg [dreg:$0x1];
	p0 =	sne.s32 s2, $0x0  }
0xd9: {  	s3 =	rddreg [dreg:$0x2];
	[bflag:$0x3] =	sbarrier.arrive $0xFFFF;
	s2 =	simm.s32 @!p0 $0x1C07  }
0xda: {  	[timem:s3], [sflag:s2] =	dma.local @!p0 [hbm:s0], s1  }
0xdb: {  	s0 =	simm.s32 @!p0 $0x7  }
0xdc: {  	_ =	swait.ge @!p0 [sflag:s0], s1  }
0xdd: {  	s1 =	ssub.s32 @!p0 $0x0, s1;
	[sflag:s0] =	ssyncset.done @!p0 $0x0  }
0xde: {  	[sflag:s0] =	ssyncadd.s32 @!p0 s1  }
0xdf: {  	[bflag:$0x3] =	sbarrier.arrive $0xFFFF  }
0xe0: {  	_ =	shalt  }

</sc_bundles>
